<compile_context>
chip_gen: v7x
topology: tpu7x:2x2x1
jax: 0.10.2.dev20260603
libtpu: 0.0.44.dev20260713+nightly
codegen_flags: <defaults>
</compile_context>

<pallas_src>
import functools

import jax
import jax.numpy as jnp
from jax import lax
from jax.experimental import pallas as pl
from jax.experimental.pallas import tpu as pltpu
from jax.experimental.pallas import tpu_sc as plsc

B = 16384
T = 1284
W = 2576
G = 8
R = 161
NR = 16 * W // G
NC = 2
NS = 16
NW = NC * NS
BPW = B // NW
C = 16
H = BPW // C
CI = C * R


def _annual_table_tc(qx, kx):

    def body(qx_ref, kx_ref, o_ref):
        o_ref[...] = (jnp.power(qx_ref[...] + 1.0, 1.0 / 12.0) - 1.0) * (
            1.0 - kx_ref[...]
        )

    return pl.pallas_call(
        body,
        out_shape=jax.ShapeDtypeStruct(qx.shape, jnp.float32),
    )(qx, kx)


_IDX_BLK = 2048


def _window_indices_tc(sex, age, dur):

    def body(sex_ref, age_ref, dur_ref, o_ref):
        mth = age_ref[...] * 12 + dur_ref[...]
        p = jnp.bitwise_and(mth, G - 1)
        start8 = (p * 2 + sex_ref[...]) * (W // G) + lax.shift_right_logical(
            mth - p, 3
        )
        o_ref[...] = start8 + lax.broadcasted_iota(
            jnp.int32, (_IDX_BLK, R), 1
        )

    spec1 = pl.BlockSpec((_IDX_BLK, 1), lambda i: (i, 0))
    return pl.pallas_call(
        body,
        grid=(B // _IDX_BLK,),
        in_specs=[spec1, spec1, spec1],
        out_specs=pl.BlockSpec((_IDX_BLK, R), lambda i: (i, 0)),
        out_shape=jax.ShapeDtypeStruct((B, R), jnp.int32),
    )(sex.reshape(B, 1), age.reshape(B, 1), dur.reshape(B, 1))


def _make_sc_kernel(interpret=False):
    mesh = plsc.VectorSubcoreMesh(core_axis_name="c", subcore_axis_name="s")

    @functools.partial(
        pl.kernel,
        out_type=jax.ShapeDtypeStruct((B * R, G), jnp.float32),
        mesh=mesh,
        interpret=interpret,
        compiler_params=pltpu.CompilerParams(use_tc_tiling_on_sc=False),
        scratch_types=[
            pltpu.VMEM_SHARED((NR, G), jnp.float32),
            pltpu.VMEM((2, CI), jnp.int32),
            pltpu.VMEM((2, CI, G), jnp.float32),
        ]
        + [pltpu.SemaphoreType.DMA] * 6,
    )
    def sc_kern(t8_hbm, idx_hbm, out_hbm, table_sh, idx_v, chunk_v, *sems):
        cidx = lax.axis_index("c")
        sid = lax.axis_index("s")
        wid = sid * NC + cidx
        base = wid * BPW

        @pl.when(sid == 0)
        def _():
            pltpu.sync_copy(t8_hbm, table_sh)

        plsc.subcore_barrier()

        isem = sems[0:2]
        gsem = sems[2:4]
        osem = sems[4:6]

        def istart(d, h):
            pltpu.make_async_copy(
                idx_hbm.at[pl.ds((base + h * C) * R, CI)],
                idx_v.at[d],
                isem[d],
            ).start()

        def iwait(d):
            pltpu.make_async_copy(
                idx_hbm.at[pl.ds(0, CI)],
                idx_v.at[d],
                isem[d],
            ).wait()

        def gstart(d):
            pltpu.make_async_copy(
                table_sh.at[idx_v.at[d]],
                chunk_v.at[d],
                gsem[d],
            ).start()

        def gwait(d):
            pltpu.make_async_copy(
                table_sh.at[idx_v.at[d]],
                chunk_v.at[d],
                gsem[d],
            ).wait()

        def ostart(d, h):
            pltpu.make_async_copy(
                chunk_v.at[d],
                out_hbm.at[pl.ds((base + h * C) * R, CI)],
                osem[d],
            ).start()

        def owait(d):
            pltpu.make_async_copy(
                chunk_v.at[d],
                out_hbm.at[pl.ds(0, CI)],
                osem[d],
            ).wait()

        istart(0, 0)
        istart(1, 1)

        def step(d, h, hh):
            iwait(d)

            @pl.when(hh >= 1)
            def _():
                owait(d)

            gstart(d)
            gwait(d)
            ostart(d, h)

            @pl.when(hh <= H // 2 - 2)
            def _():
                istart(d, h + 2)

        def body(hh, carry):
            step(0, hh * 2, hh)
            step(1, hh * 2 + 1, hh)
            return carry

        lax.fori_loop(0, H // 2, body, 0)
        owait(0)
        owait(1)

    return sc_kern


_SC_KERN = _make_sc_kernel()


def kernel(mp_idx, mp_val, qx, kx):
    q_ann = _annual_table_tc(qx, kx)
    q_mth = jnp.repeat(q_ann, 12, axis=1)
    t_pad = jnp.zeros((2, W + G), jnp.float32).at[:, :T].set(q_mth)
    t8 = jnp.stack([t_pad[:, p : p + W] for p in range(G)])
    t8_rows = t8.reshape(NR, G)
    idx = _window_indices_tc(mp_idx[:, 0], mp_idx[:, 1], mp_idx[:, 4])
    out = _SC_KERN(t8_rows, idx.reshape(B * R))
    return out.reshape(B, R * G)[:, :T]

# --- scband reference (transcript-rebuilt; emitter-appended) ---
"""Pipeline reference for scband-probability-82849919140326 (READ-ONLY COPY).

The authoritative reference and input builder live on the scoring server;
editing this copy changes nothing except your own understanding.
"""

import jax, jax.numpy as jnp
import numpy as np

MAX_YR_LEN = 107
SEX_IDX, AGE_IDX, DUR_IDX = 0, 1, 4


def repeat12(t):
    # torch 'repeat(t, 12)': each annual column repeated 12x along last axis
    return jnp.repeat(t, 12, axis=-1)


def time_slice(t, idx, pad_value):
    # For each row b: out[b, j] = t[b, idx[b] + j] if in range else pad_value
    B, T = t.shape
    cols = jnp.arange(T, dtype=jnp.int32)[None, :] + idx[:, None].astype(jnp.int32)
    valid = cols < T
    cols_c = jnp.clip(cols, 0, T - 1)
    vals = jnp.take_along_axis(t, cols_c, axis=1)
    return jnp.where(valid, vals, jnp.asarray(pad_value, dtype=t.dtype))


def setup_inputs(seed: int = 0) -> dict:
    key = jax.random.key(seed)
    k1, k2, k3, k4, k5, k6 = jax.random.split(key, 6)
    B = 16384
    sex = jax.random.randint(k1, (B,), 0, 2, dtype=jnp.int32)
    age = jax.random.randint(k2, (B,), 0, 60, dtype=jnp.int32)
    dur = jax.random.randint(k3, (B,), 0, 120, dtype=jnp.int32)  # duration in months
    zeros = jnp.zeros((B,), dtype=jnp.int32)
    mp_idx = jnp.stack([sex, age, zeros, zeros, dur], axis=1)
    mp_val = jax.random.normal(k4, (B, 8), dtype=jnp.float32)
    # learned parameters of the Probability module
    qx = jax.random.uniform(k5, (2, MAX_YR_LEN), dtype=jnp.float32, minval=1e-4, maxval=0.3)
    kx = jax.random.uniform(k6, (2, MAX_YR_LEN), dtype=jnp.float32, minval=0.1, maxval=0.9)
    return {"mp_idx": mp_idx, "mp_val": mp_val, "qx": qx, "kx": kx}


def reference(mp_idx, mp_val, qx, kx):
    # sens_type=None path of Probability.forward (annual=False)
    sex = mp_idx[:, SEX_IDX]
    age = mp_idx[:, AGE_IDX]
    dur = mp_idx[:, DUR_IDX]
    mth = age * 12 + dur
    # monthly_probs(): annual -> monthly conversion, column-repeated 12x
    qx_mth = repeat12(jnp.power(qx + 1.0, 1.0 / 12.0) - 1.0)
    kx_mth = repeat12(kx)
    q = qx_mth * (1.0 - kx_mth)          # [2, MAX_YR_LEN*12]
    q_sel = jnp.take(q, sex, axis=0)      # row gather by sex -> [B, 1284]
    return time_slice(q_sel, mth, 0.0)    # shifted window gather -> [B, 1284]

if __name__ == "__main__":
    import jax
    _d = setup_inputs()
    print(jax.jit(kernel)(*tuple(_d.values())))

</pallas_src>

<mosaic_0001>
#map = affine_map<(d0, d1) -> (0, 0)>
#map1 = affine_map<(d0, d1) -> (0)>
module attributes {stable_mosaic.version = 14 : i64} {
  func.func @sc_kern(%arg0: i32, %arg1: i32, %arg2: memref<5152x8xf32, #tpu.memory_space<hbm>>, %arg3: memref<2637824xi32, #tpu.memory_space<hbm>>, %arg4: memref<2637824x8xf32, #tpu.memory_space<hbm>>, %arg5: memref<5152x8xf32, #tpu.memory_space<vmem_shared>>, %arg6: memref<2x2576xi32, #tpu.memory_space<vmem>>, %arg7: memref<2x2576x8xf32, #tpu.memory_space<vmem>>, %arg8: memref<!tpu.dma_semaphore, #tpu.memory_space<semaphore_mem>>, %arg9: memref<!tpu.dma_semaphore, #tpu.memory_space<semaphore_mem>>, %arg10: memref<!tpu.dma_semaphore, #tpu.memory_space<semaphore_mem>>, %arg11: memref<!tpu.dma_semaphore, #tpu.memory_space<semaphore_mem>>, %arg12: memref<!tpu.dma_semaphore, #tpu.memory_space<semaphore_mem>>, %arg13: memref<!tpu.dma_semaphore, #tpu.memory_space<semaphore_mem>>) attributes {dimension_semantics = [#tpu.dimension_semantics<core_parallel>, #tpu.dimension_semantics<subcore_parallel>], iteration_bounds = array<i64: 2, 16>, scalar_prefetch = 0 : i64, scratch_operands = 9 : i64, tpu.core_type = #tpu.core_type<sc_vector_subcore>, window_params = [{transform_indices = #map}, {transform_indices = #map1}, {transform_indices = #map}]} {
    %mul3A = arith.constant 2 : i32
    %mul3A_0 = arith.muli %arg1, %mul3A : i32
    %add3A = arith.addi %mul3A_0, %arg0 : i32
    %mul3A_1 = arith.constant 512 : i32
    %mul3A_2 = arith.muli %add3A, %mul3A_1 : i32
    %eq3A = arith.constant 0 : i32
    %eq3A_3 = arith.cmpi eq, %arg1, %eq3A : i32
    %convert_element_type3A = arith.extui %eq3A_3 : i1 to i32
    %cond3A = arith.constant 0 : i32
    %cond3A_4 = arith.cmpi ne, %convert_element_type3A, %cond3A : i32
    scf.if %cond3A_4 {
      "tpu.region"() ({
        %run_scoped3A = tpu.sem_alloc : memref<!tpu.dma_semaphore, #tpu.memory_space<semaphore_mem>>
        tpu.enqueue_dma source(%arg2 : memref<5152x8xf32, #tpu.memory_space<hbm>>) target(%arg5 : memref<5152x8xf32, #tpu.memory_space<vmem_shared>>) target_semaphore(%run_scoped3A : memref<!tpu.dma_semaphore, #tpu.memory_space<semaphore_mem>>)
        tpu.wait_dma2 semaphore(%run_scoped3A : memref<!tpu.dma_semaphore, #tpu.memory_space<semaphore_mem>>) src(%arg2 : memref<5152x8xf32, #tpu.memory_space<hbm>>) dst(%arg5 : memref<5152x8xf32, #tpu.memory_space<vmem_shared>>)
        tpu.yield
      }) : () -> ()
    } else {
    }
    %barrier3A = arith.constant 0 : index
    tpu.barrier barrier_id(%barrier3A)
    %add3A_5 = arith.constant 0 : i32
    %add3A_6 = arith.addi %mul3A_2, %add3A_5 : i32
    %mul3A_7 = arith.constant 161 : i32
    %mul3A_8 = arith.muli %add3A_6, %mul3A_7 : i32
    %dma_start3A = arith.constant 0 : i32
    %dma_start3A_9 = arith.constant 0 : i32
    %dma_start3A_10 = tpu.memref_slice %arg6[%dma_start3A, %dma_start3A_9] : memref<2x2576xi32, #tpu.memory_space<vmem>> -> memref<1x2576xi32, #tpu.memory_space<vmem>>
    %dma_start3A_11 = tpu.memref_squeeze %dma_start3A_10 : memref<1x2576xi32, #tpu.memory_space<vmem>> -> memref<2576xi32, #tpu.memory_space<vmem>>
    %dma_start3A_12 = tpu.memref_slice %arg3[%mul3A_8] : memref<2637824xi32, #tpu.memory_space<hbm>> -> memref<2576xi32, #tpu.memory_space<hbm>>
    %dma_start3A_13 = arith.constant 0 : i32
    %dma_start3A_14 = tpu.memref_slice %arg6[%dma_start3A, %dma_start3A_13] : memref<2x2576xi32, #tpu.memory_space<vmem>> -> memref<1x2576xi32, #tpu.memory_space<vmem>>
    %dma_start3A_15 = tpu.memref_squeeze %dma_start3A_14 : memref<1x2576xi32, #tpu.memory_space<vmem>> -> memref<2576xi32, #tpu.memory_space<vmem>>
    %dma_start3A_16 = tpu.memref_slice %arg3[%mul3A_8] : memref<2637824xi32, #tpu.memory_space<hbm>> -> memref<2576xi32, #tpu.memory_space<hbm>>
    tpu.enqueue_dma source(%dma_start3A_16 : memref<2576xi32, #tpu.memory_space<hbm>>) target(%dma_start3A_15 : memref<2576xi32, #tpu.memory_space<vmem>>) target_semaphore(%arg8 : memref<!tpu.dma_semaphore, #tpu.memory_space<semaphore_mem>>)
    %add3A_17 = arith.constant 16 : i32
    %add3A_18 = arith.addi %mul3A_2, %add3A_17 : i32
    %mul3A_19 = arith.constant 161 : i32
    %mul3A_20 = arith.muli %add3A_18, %mul3A_19 : i32
    %dma_start3A_21 = arith.constant 1 : i32
    %dma_start3A_22 = arith.constant 0 : i32
    %dma_start3A_23 = tpu.memref_slice %arg6[%dma_start3A_21, %dma_start3A_22] : memref<2x2576xi32, #tpu.memory_space<vmem>> -> memref<1x2576xi32, #tpu.memory_space<vmem>>
    %dma_start3A_24 = tpu.memref_squeeze %dma_start3A_23 : memref<1x2576xi32, #tpu.memory_space<vmem>> -> memref<2576xi32, #tpu.memory_space<vmem>>
    %dma_start3A_25 = tpu.memref_slice %arg3[%mul3A_20] : memref<2637824xi32, #tpu.memory_space<hbm>> -> memref<2576xi32, #tpu.memory_space<hbm>>
    %dma_start3A_26 = arith.constant 0 : i32
    %dma_start3A_27 = tpu.memref_slice %arg6[%dma_start3A_21, %dma_start3A_26] : memref<2x2576xi32, #tpu.memory_space<vmem>> -> memref<1x2576xi32, #tpu.memory_space<vmem>>
    %dma_start3A_28 = tpu.memref_squeeze %dma_start3A_27 : memref<1x2576xi32, #tpu.memory_space<vmem>> -> memref<2576xi32, #tpu.memory_space<vmem>>
    %dma_start3A_29 = tpu.memref_slice %arg3[%mul3A_20] : memref<2637824xi32, #tpu.memory_space<hbm>> -> memref<2576xi32, #tpu.memory_space<hbm>>
    tpu.enqueue_dma source(%dma_start3A_29 : memref<2576xi32, #tpu.memory_space<hbm>>) target(%dma_start3A_28 : memref<2576xi32, #tpu.memory_space<vmem>>) target_semaphore(%arg9 : memref<!tpu.dma_semaphore, #tpu.memory_space<semaphore_mem>>)
    %scan3A = arith.constant 0 : i32
    %scan3A_30 = arith.constant 0 : i32
    %scan3A_31 = arith.constant 16 : i32
    %scan3A_32 = arith.addi %scan3A_30, %scan3A_31 : i32
    %scan3A_33 = arith.constant 1 : i32
    scf.for %scan3A_64 = %scan3A_30 to %scan3A_32 step %scan3A_33  : i32 {
      %mul3A_65 = arith.constant 2 : i32
      %mul3A_66 = arith.muli %scan3A_64, %mul3A_65 : i32
      %dma_wait3A_67 = arith.constant 0 : i32
      %dma_wait3A_68 = arith.constant 0 : i32
      %dma_wait3A_69 = tpu.memref_slice %arg6[%dma_wait3A_67, %dma_wait3A_68] : memref<2x2576xi32, #tpu.memory_space<vmem>> -> memref<1x2576xi32, #tpu.memory_space<vmem>>
      %dma_wait3A_70 = tpu.memref_squeeze %dma_wait3A_69 : memref<1x2576xi32, #tpu.memory_space<vmem>> -> memref<2576xi32, #tpu.memory_space<vmem>>
      %dma_wait3A_71 = arith.constant 0 : i32
      %dma_wait3A_72 = tpu.memref_slice %arg3[%dma_wait3A_71] : memref<2637824xi32, #tpu.memory_space<hbm>> -> memref<2576xi32, #tpu.memory_space<hbm>>
      %dma_wait3A_73 = arith.constant 0 : i32
      %dma_wait3A_74 = tpu.memref_slice %arg6[%dma_wait3A_67, %dma_wait3A_73] : memref<2x2576xi32, #tpu.memory_space<vmem>> -> memref<1x2576xi32, #tpu.memory_space<vmem>>
      %dma_wait3A_75 = tpu.memref_squeeze %dma_wait3A_74 : memref<1x2576xi32, #tpu.memory_space<vmem>> -> memref<2576xi32, #tpu.memory_space<vmem>>
      %dma_wait3A_76 = arith.constant 0 : i32
      %dma_wait3A_77 = tpu.memref_slice %arg3[%dma_wait3A_76] : memref<2637824xi32, #tpu.memory_space<hbm>> -> memref<2576xi32, #tpu.memory_space<hbm>>
      tpu.wait_dma2 semaphore(%arg8 : memref<!tpu.dma_semaphore, #tpu.memory_space<semaphore_mem>>) src(%dma_wait3A_77 : memref<2576xi32, #tpu.memory_space<hbm>>) dst(%dma_wait3A_75 : memref<2576xi32, #tpu.memory_space<vmem>>)
      %ge3A = arith.constant 1 : i32
      %ge3A_78 = arith.cmpi sge, %scan3A_64, %ge3A : i32
      %convert_element_type3A_79 = arith.extui %ge3A_78 : i1 to i32
      %cond3A_80 = arith.constant 0 : i32
      %cond3A_81 = arith.cmpi ne, %convert_element_type3A_79, %cond3A_80 : i32
      scf.if %cond3A_81 {
        %dma_wait3A_195 = arith.constant 0 : i32
        %dma_wait3A_196 = arith.constant 0 : i32
        %dma_wait3A_197 = arith.constant 0 : i32
        %dma_wait3A_198 = tpu.memref_slice %arg7[%dma_wait3A_195, %dma_wait3A_196, %dma_wait3A_197] : memref<2x2576x8xf32, #tpu.memory_space<vmem>> -> memref<1x2576x8xf32, #tpu.memory_space<vmem>>
        %dma_wait3A_199 = tpu.memref_squeeze %dma_wait3A_198 : memref<1x2576x8xf32, #tpu.memory_space<vmem>> -> memref<2576x8xf32, #tpu.memory_space<vmem>>
        %dma_wait3A_200 = arith.constant 0 : i32
        %dma_wait3A_201 = arith.constant 0 : i32
        %dma_wait3A_202 = tpu.memref_slice %arg4[%dma_wait3A_200, %dma_wait3A_201] : memref<2637824x8xf32, #tpu.memory_space<hbm>> -> memref<2576x8xf32, #tpu.memory_space<hbm>>
        %dma_wait3A_203 = arith.constant 0 : i32
        %dma_wait3A_204 = arith.constant 0 : i32
        %dma_wait3A_205 = tpu.memref_slice %arg4[%dma_wait3A_203, %dma_wait3A_204] : memref<2637824x8xf32, #tpu.memory_space<hbm>> -> memref<2576x8xf32, #tpu.memory_space<hbm>>
        %dma_wait3A_206 = arith.constant 0 : i32
        %dma_wait3A_207 = arith.constant 0 : i32
        %dma_wait3A_208 = tpu.memref_slice %arg7[%dma_wait3A_195, %dma_wait3A_206, %dma_wait3A_207] : memref<2x2576x8xf32, #tpu.memory_space<vmem>> -> memref<1x2576x8xf32, #tpu.memory_space<vmem>>
        %dma_wait3A_209 = tpu.memref_squeeze %dma_wait3A_208 : memref<1x2576x8xf32, #tpu.memory_space<vmem>> -> memref<2576x8xf32, #tpu.memory_space<vmem>>
        tpu.wait_dma2 semaphore(%arg12 : memref<!tpu.dma_semaphore, #tpu.memory_space<semaphore_mem>>) src(%dma_wait3A_209 : memref<2576x8xf32, #tpu.memory_space<vmem>>) dst(%dma_wait3A_205 : memref<2576x8xf32, #tpu.memory_space<hbm>>)
      } else {
      }
      %dma_start3A_82 = arith.constant 0 : i32
      %dma_start3A_83 = arith.constant 0 : i32
      %dma_start3A_84 = arith.constant 0 : i32
      %dma_start3A_85 = arith.constant 0 : i32
      %dma_start3A_86 = tpu.memref_slice %arg7[%dma_start3A_83, %dma_start3A_84, %dma_start3A_85] : memref<2x2576x8xf32, #tpu.memory_space<vmem>> -> memref<1x2576x8xf32, #tpu.memory_space<vmem>>
      %dma_start3A_87 = tpu.memref_squeeze %dma_start3A_86 : memref<1x2576x8xf32, #tpu.memory_space<vmem>> -> memref<2576x8xf32, #tpu.memory_space<vmem>>
      %dma_start3A_88 = arith.constant 0 : i32
      %dma_start3A_89 = tpu.memref_slice %arg6[%dma_start3A_82, %dma_start3A_88] : memref<2x2576xi32, #tpu.memory_space<vmem>> -> memref<1x2576xi32, #tpu.memory_space<vmem>>
      %dma_start3A_90 = tpu.memref_squeeze %dma_start3A_89 : memref<1x2576xi32, #tpu.memory_space<vmem>> -> memref<2576xi32, #tpu.memory_space<vmem>>
      %dma_start3A_91 = arith.constant 0 : i32
      %dma_start3A_92 = arith.constant 0 : i32
      %dma_start3A_93 = tpu.memref_slice %arg5[%dma_start3A_91, %dma_start3A_92] : memref<5152x8xf32, #tpu.memory_space<vmem_shared>> -> memref<5152x8xf32, #tpu.memory_space<vmem_shared>>
      tpu.enqueue_indirect_dma source(%dma_start3A_93 : memref<5152x8xf32, #tpu.memory_space<vmem_shared>>) target(%dma_start3A_87 : memref<2576x8xf32, #tpu.memory_space<vmem>>) offsets(%dma_start3A_90 : memref<2576xi32, #tpu.memory_space<vmem>>) semaphore(%arg10 : memref<!tpu.dma_semaphore, #tpu.memory_space<semaphore_mem>>)
      %dma_wait3A_94 = arith.constant 0 : i32
      %dma_wait3A_95 = arith.constant 0 : i32
      %dma_wait3A_96 = arith.constant 0 : i32
      %dma_wait3A_97 = arith.constant 0 : i32
      %dma_wait3A_98 = tpu.memref_slice %arg7[%dma_wait3A_95, %dma_wait3A_96, %dma_wait3A_97] : memref<2x2576x8xf32, #tpu.memory_space<vmem>> -> memref<1x2576x8xf32, #tpu.memory_space<vmem>>
      %dma_wait3A_99 = tpu.memref_squeeze %dma_wait3A_98 : memref<1x2576x8xf32, #tpu.memory_space<vmem>> -> memref<2576x8xf32, #tpu.memory_space<vmem>>
      %dma_wait3A_100 = arith.constant 0 : i32
      %dma_wait3A_101 = tpu.memref_slice %arg6[%dma_wait3A_94, %dma_wait3A_100] : memref<2x2576xi32, #tpu.memory_space<vmem>> -> memref<1x2576xi32, #tpu.memory_space<vmem>>
      %dma_wait3A_102 = tpu.memref_squeeze %dma_wait3A_101 : memref<1x2576xi32, #tpu.memory_space<vmem>> -> memref<2576xi32, #tpu.memory_space<vmem>>
      %dma_wait3A_103 = arith.constant 0 : i32
      %dma_wait3A_104 = arith.constant 0 : i32
      %dma_wait3A_105 = tpu.memref_slice %arg5[%dma_wait3A_103, %dma_wait3A_104] : memref<5152x8xf32, #tpu.memory_space<vmem_shared>> -> memref<5152x8xf32, #tpu.memory_space<vmem_shared>>
      tpu.wait_indirect_dma semaphore(%arg10 : memref<!tpu.dma_semaphore, #tpu.memory_space<semaphore_mem>>) src(%dma_wait3A_105 : memref<5152x8xf32, #tpu.memory_space<vmem_shared>>) dst(%dma_wait3A_99 : memref<2576x8xf32, #tpu.memory_space<vmem>>)
      %mul3A_106 = arith.constant 16 : i32
      %mul3A_107 = arith.muli %mul3A_66, %mul3A_106 : i32
      %add3A_108 = arith.addi %mul3A_2, %mul3A_107 : i32
      %mul3A_109 = arith.constant 161 : i32
      %mul3A_110 = arith.muli %add3A_108, %mul3A_109 : i32
      %dma_start3A_111 = arith.constant 0 : i32
      %dma_start3A_112 = arith.constant 0 : i32
      %dma_start3A_113 = arith.constant 0 : i32
      %dma_start3A_114 = tpu.memref_slice %arg7[%dma_start3A_111, %dma_start3A_112, %dma_start3A_113] : memref<2x2576x8xf32, #tpu.memory_space<vmem>> -> memref<1x2576x8xf32, #tpu.memory_space<vmem>>
      %dma_start3A_115 = tpu.memref_squeeze %dma_start3A_114 : memref<1x2576x8xf32, #tpu.memory_space<vmem>> -> memref<2576x8xf32, #tpu.memory_space<vmem>>
      %dma_start3A_116 = arith.constant 0 : i32
      %dma_start3A_117 = tpu.memref_slice %arg4[%mul3A_110, %dma_start3A_116] : memref<2637824x8xf32, #tpu.memory_space<hbm>> -> memref<2576x8xf32, #tpu.memory_space<hbm>>
      %dma_start3A_118 = arith.constant 0 : i32
      %dma_start3A_119 = tpu.memref_slice %arg4[%mul3A_110, %dma_start3A_118] : memref<2637824x8xf32, #tpu.memory_space<hbm>> -> memref<2576x8xf32, #tpu.memory_space<hbm>>
      %dma_start3A_120 = arith.constant 0 : i32
      %dma_start3A_121 = arith.constant 0 : i32
      %dma_start3A_122 = tpu.memref_slice %arg7[%dma_start3A_111, %dma_start3A_120, %dma_start3A_121] : memref<2x2576x8xf32, #tpu.memory_space<vmem>> -> memref<1x2576x8xf32, #tpu.memory_space<vmem>>
      %dma_start3A_123 = tpu.memref_squeeze %dma_start3A_122 : memref<1x2576x8xf32, #tpu.memory_space<vmem>> -> memref<2576x8xf32, #tpu.memory_space<vmem>>
      tpu.enqueue_dma source(%dma_start3A_123 : memref<2576x8xf32, #tpu.memory_space<vmem>>) target(%dma_start3A_119 : memref<2576x8xf32, #tpu.memory_space<hbm>>) target_semaphore(%arg12 : memref<!tpu.dma_semaphore, #tpu.memory_space<semaphore_mem>>)
      %le3A = arith.constant 14 : i32
      %le3A_124 = arith.cmpi sle, %scan3A_64, %le3A : i32
      %convert_element_type3A_125 = arith.extui %le3A_124 : i1 to i32
      %cond3A_126 = arith.constant 0 : i32
      %cond3A_127 = arith.cmpi ne, %convert_element_type3A_125, %cond3A_126 : i32
      scf.if %cond3A_127 {
        %add3A_195 = arith.constant 2 : i32
        %add3A_196 = arith.addi %mul3A_66, %add3A_195 : i32
        %mul3A_197 = arith.constant 16 : i32
        %mul3A_198 = arith.muli %add3A_196, %mul3A_197 : i32
        %add3A_199 = arith.addi %mul3A_2, %mul3A_198 : i32
        %mul3A_200 = arith.constant 161 : i32
        %mul3A_201 = arith.muli %add3A_199, %mul3A_200 : i32
        %dma_start3A_202 = arith.constant 0 : i32
        %dma_start3A_203 = arith.constant 0 : i32
        %dma_start3A_204 = tpu.memref_slice %arg6[%dma_start3A_202, %dma_start3A_203] : memref<2x2576xi32, #tpu.memory_space<vmem>> -> memref<1x2576xi32, #tpu.memory_space<vmem>>
        %dma_start3A_205 = tpu.memref_squeeze %dma_start3A_204 : memref<1x2576xi32, #tpu.memory_space<vmem>> -> memref<2576xi32, #tpu.memory_space<vmem>>
        %dma_start3A_206 = tpu.memref_slice %arg3[%mul3A_201] : memref<2637824xi32, #tpu.memory_space<hbm>> -> memref<2576xi32, #tpu.memory_space<hbm>>
        %dma_start3A_207 = arith.constant 0 : i32
        %dma_start3A_208 = tpu.memref_slice %arg6[%dma_start3A_202, %dma_start3A_207] : memref<2x2576xi32, #tpu.memory_space<vmem>> -> memref<1x2576xi32, #tpu.memory_space<vmem>>
        %dma_start3A_209 = tpu.memref_squeeze %dma_start3A_208 : memref<1x2576xi32, #tpu.memory_space<vmem>> -> memref<2576xi32, #tpu.memory_space<vmem>>
        %dma_start3A_210 = tpu.memref_slice %arg3[%mul3A_201] : memref<2637824xi32, #tpu.memory_space<hbm>> -> memref<2576xi32, #tpu.memory_space<hbm>>
        tpu.enqueue_dma source(%dma_start3A_210 : memref<2576xi32, #tpu.memory_space<hbm>>) target(%dma_start3A_209 : memref<2576xi32, #tpu.memory_space<vmem>>) target_semaphore(%arg8 : memref<!tpu.dma_semaphore, #tpu.memory_space<semaphore_mem>>)
      } else {
      }
      %mul3A_128 = arith.constant 2 : i32
      %mul3A_129 = arith.muli %scan3A_64, %mul3A_128 : i32
      %add3A_130 = arith.constant 1 : i32
      %add3A_131 = arith.addi %mul3A_129, %add3A_130 : i32
      %dma_wait3A_132 = arith.constant 1 : i32
      %dma_wait3A_133 = arith.constant 0 : i32
      %dma_wait3A_134 = tpu.memref_slice %arg6[%dma_wait3A_132, %dma_wait3A_133] : memref<2x2576xi32, #tpu.memory_space<vmem>> -> memref<1x2576xi32, #tpu.memory_space<vmem>>
      %dma_wait3A_135 = tpu.memref_squeeze %dma_wait3A_134 : memref<1x2576xi32, #tpu.memory_space<vmem>> -> memref<2576xi32, #tpu.memory_space<vmem>>
      %dma_wait3A_136 = arith.constant 0 : i32
      %dma_wait3A_137 = tpu.memref_slice %arg3[%dma_wait3A_136] : memref<2637824xi32, #tpu.memory_space<hbm>> -> memref<2576xi32, #tpu.memory_space<hbm>>
      %dma_wait3A_138 = arith.constant 0 : i32
      %dma_wait3A_139 = tpu.memref_slice %arg6[%dma_wait3A_132, %dma_wait3A_138] : memref<2x2576xi32, #tpu.memory_space<vmem>> -> memref<1x2576xi32, #tpu.memory_space<vmem>>
      %dma_wait3A_140 = tpu.memref_squeeze %dma_wait3A_139 : memref<1x2576xi32, #tpu.memory_space<vmem>> -> memref<2576xi32, #tpu.memory_space<vmem>>
      %dma_wait3A_141 = arith.constant 0 : i32
      %dma_wait3A_142 = tpu.memref_slice %arg3[%dma_wait3A_141] : memref<2637824xi32, #tpu.memory_space<hbm>> -> memref<2576xi32, #tpu.memory_space<hbm>>
      tpu.wait_dma2 semaphore(%arg9 : memref<!tpu.dma_semaphore, #tpu.memory_space<semaphore_mem>>) src(%dma_wait3A_142 : memref<2576xi32, #tpu.memory_space<hbm>>) dst(%dma_wait3A_140 : memref<2576xi32, #tpu.memory_space<vmem>>)
      %ge3A_143 = arith.constant 1 : i32
      %ge3A_144 = arith.cmpi sge, %scan3A_64, %ge3A_143 : i32
      %convert_element_type3A_145 = arith.extui %ge3A_144 : i1 to i32
      %cond3A_146 = arith.constant 0 : i32
      %cond3A_147 = arith.cmpi ne, %convert_element_type3A_145, %cond3A_146 : i32
      scf.if %cond3A_147 {
        %dma_wait3A_195 = arith.constant 1 : i32
        %dma_wait3A_196 = arith.constant 0 : i32
        %dma_wait3A_197 = arith.constant 0 : i32
        %dma_wait3A_198 = tpu.memref_slice %arg7[%dma_wait3A_195, %dma_wait3A_196, %dma_wait3A_197] : memref<2x2576x8xf32, #tpu.memory_space<vmem>> -> memref<1x2576x8xf32, #tpu.memory_space<vmem>>
        %dma_wait3A_199 = tpu.memref_squeeze %dma_wait3A_198 : memref<1x2576x8xf32, #tpu.memory_space<vmem>> -> memref<2576x8xf32, #tpu.memory_space<vmem>>
        %dma_wait3A_200 = arith.constant 0 : i32
        %dma_wait3A_201 = arith.constant 0 : i32
        %dma_wait3A_202 = tpu.memref_slice %arg4[%dma_wait3A_200, %dma_wait3A_201] : memref<2637824x8xf32, #tpu.memory_space<hbm>> -> memref<2576x8xf32, #tpu.memory_space<hbm>>
        %dma_wait3A_203 = arith.constant 0 : i32
        %dma_wait3A_204 = arith.constant 0 : i32
        %dma_wait3A_205 = tpu.memref_slice %arg4[%dma_wait3A_203, %dma_wait3A_204] : memref<2637824x8xf32, #tpu.memory_space<hbm>> -> memref<2576x8xf32, #tpu.memory_space<hbm>>
        %dma_wait3A_206 = arith.constant 0 : i32
        %dma_wait3A_207 = arith.constant 0 : i32
        %dma_wait3A_208 = tpu.memref_slice %arg7[%dma_wait3A_195, %dma_wait3A_206, %dma_wait3A_207] : memref<2x2576x8xf32, #tpu.memory_space<vmem>> -> memref<1x2576x8xf32, #tpu.memory_space<vmem>>
        %dma_wait3A_209 = tpu.memref_squeeze %dma_wait3A_208 : memref<1x2576x8xf32, #tpu.memory_space<vmem>> -> memref<2576x8xf32, #tpu.memory_space<vmem>>
        tpu.wait_dma2 semaphore(%arg13 : memref<!tpu.dma_semaphore, #tpu.memory_space<semaphore_mem>>) src(%dma_wait3A_209 : memref<2576x8xf32, #tpu.memory_space<vmem>>) dst(%dma_wait3A_205 : memref<2576x8xf32, #tpu.memory_space<hbm>>)
      } else {
      }
      %dma_start3A_148 = arith.constant 1 : i32
      %dma_start3A_149 = arith.constant 1 : i32
      %dma_start3A_150 = arith.constant 0 : i32
      %dma_start3A_151 = arith.constant 0 : i32
      %dma_start3A_152 = tpu.memref_slice %arg7[%dma_start3A_149, %dma_start3A_150, %dma_start3A_151] : memref<2x2576x8xf32, #tpu.memory_space<vmem>> -> memref<1x2576x8xf32, #tpu.memory_space<vmem>>
      %dma_start3A_153 = tpu.memref_squeeze %dma_start3A_152 : memref<1x2576x8xf32, #tpu.memory_space<vmem>> -> memref<2576x8xf32, #tpu.memory_space<vmem>>
      %dma_start3A_154 = arith.constant 0 : i32
      %dma_start3A_155 = tpu.memref_slice %arg6[%dma_start3A_148, %dma_start3A_154] : memref<2x2576xi32, #tpu.memory_space<vmem>> -> memref<1x2576xi32, #tpu.memory_space<vmem>>
      %dma_start3A_156 = tpu.memref_squeeze %dma_start3A_155 : memref<1x2576xi32, #tpu.memory_space<vmem>> -> memref<2576xi32, #tpu.memory_space<vmem>>
      %dma_start3A_157 = arith.constant 0 : i32
      %dma_start3A_158 = arith.constant 0 : i32
      %dma_start3A_159 = tpu.memref_slice %arg5[%dma_start3A_157, %dma_start3A_158] : memref<5152x8xf32, #tpu.memory_space<vmem_shared>> -> memref<5152x8xf32, #tpu.memory_space<vmem_shared>>
      tpu.enqueue_indirect_dma source(%dma_start3A_159 : memref<5152x8xf32, #tpu.memory_space<vmem_shared>>) target(%dma_start3A_153 : memref<2576x8xf32, #tpu.memory_space<vmem>>) offsets(%dma_start3A_156 : memref<2576xi32, #tpu.memory_space<vmem>>) semaphore(%arg11 : memref<!tpu.dma_semaphore, #tpu.memory_space<semaphore_mem>>)
      %dma_wait3A_160 = arith.constant 1 : i32
      %dma_wait3A_161 = arith.constant 1 : i32
      %dma_wait3A_162 = arith.constant 0 : i32
      %dma_wait3A_163 = arith.constant 0 : i32
      %dma_wait3A_164 = tpu.memref_slice %arg7[%dma_wait3A_161, %dma_wait3A_162, %dma_wait3A_163] : memref<2x2576x8xf32, #tpu.memory_space<vmem>> -> memref<1x2576x8xf32, #tpu.memory_space<vmem>>
      %dma_wait3A_165 = tpu.memref_squeeze %dma_wait3A_164 : memref<1x2576x8xf32, #tpu.memory_space<vmem>> -> memref<2576x8xf32, #tpu.memory_space<vmem>>
      %dma_wait3A_166 = arith.constant 0 : i32
      %dma_wait3A_167 = tpu.memref_slice %arg6[%dma_wait3A_160, %dma_wait3A_166] : memref<2x2576xi32, #tpu.memory_space<vmem>> -> memref<1x2576xi32, #tpu.memory_space<vmem>>
      %dma_wait3A_168 = tpu.memref_squeeze %dma_wait3A_167 : memref<1x2576xi32, #tpu.memory_space<vmem>> -> memref<2576xi32, #tpu.memory_space<vmem>>
      %dma_wait3A_169 = arith.constant 0 : i32
      %dma_wait3A_170 = arith.constant 0 : i32
      %dma_wait3A_171 = tpu.memref_slice %arg5[%dma_wait3A_169, %dma_wait3A_170] : memref<5152x8xf32, #tpu.memory_space<vmem_shared>> -> memref<5152x8xf32, #tpu.memory_space<vmem_shared>>
      tpu.wait_indirect_dma semaphore(%arg11 : memref<!tpu.dma_semaphore, #tpu.memory_space<semaphore_mem>>) src(%dma_wait3A_171 : memref<5152x8xf32, #tpu.memory_space<vmem_shared>>) dst(%dma_wait3A_165 : memref<2576x8xf32, #tpu.memory_space<vmem>>)
      %mul3A_172 = arith.constant 16 : i32
      %mul3A_173 = arith.muli %add3A_131, %mul3A_172 : i32
      %add3A_174 = arith.addi %mul3A_2, %mul3A_173 : i32
      %mul3A_175 = arith.constant 161 : i32
      %mul3A_176 = arith.muli %add3A_174, %mul3A_175 : i32
      %dma_start3A_177 = arith.constant 1 : i32
      %dma_start3A_178 = arith.constant 0 : i32
      %dma_start3A_179 = arith.constant 0 : i32
      %dma_start3A_180 = tpu.memref_slice %arg7[%dma_start3A_177, %dma_start3A_178, %dma_start3A_179] : memref<2x2576x8xf32, #tpu.memory_space<vmem>> -> memref<1x2576x8xf32, #tpu.memory_space<vmem>>
      %dma_start3A_181 = tpu.memref_squeeze %dma_start3A_180 : memref<1x2576x8xf32, #tpu.memory_space<vmem>> -> memref<2576x8xf32, #tpu.memory_space<vmem>>
      %dma_start3A_182 = arith.constant 0 : i32
      %dma_start3A_183 = tpu.memref_slice %arg4[%mul3A_176, %dma_start3A_182] : memref<2637824x8xf32, #tpu.memory_space<hbm>> -> memref<2576x8xf32, #tpu.memory_space<hbm>>
      %dma_start3A_184 = arith.constant 0 : i32
      %dma_start3A_185 = tpu.memref_slice %arg4[%mul3A_176, %dma_start3A_184] : memref<2637824x8xf32, #tpu.memory_space<hbm>> -> memref<2576x8xf32, #tpu.memory_space<hbm>>
      %dma_start3A_186 = arith.constant 0 : i32
      %dma_start3A_187 = arith.constant 0 : i32
      %dma_start3A_188 = tpu.memref_slice %arg7[%dma_start3A_177, %dma_start3A_186, %dma_start3A_187] : memref<2x2576x8xf32, #tpu.memory_space<vmem>> -> memref<1x2576x8xf32, #tpu.memory_space<vmem>>
      %dma_start3A_189 = tpu.memref_squeeze %dma_start3A_188 : memref<1x2576x8xf32, #tpu.memory_space<vmem>> -> memref<2576x8xf32, #tpu.memory_space<vmem>>
      tpu.enqueue_dma source(%dma_start3A_189 : memref<2576x8xf32, #tpu.memory_space<vmem>>) target(%dma_start3A_185 : memref<2576x8xf32, #tpu.memory_space<hbm>>) target_semaphore(%arg13 : memref<!tpu.dma_semaphore, #tpu.memory_space<semaphore_mem>>)
      %le3A_190 = arith.constant 14 : i32
      %le3A_191 = arith.cmpi sle, %scan3A_64, %le3A_190 : i32
      %convert_element_type3A_192 = arith.extui %le3A_191 : i1 to i32
      %cond3A_193 = arith.constant 0 : i32
      %cond3A_194 = arith.cmpi ne, %convert_element_type3A_192, %cond3A_193 : i32
      scf.if %cond3A_194 {
        %add3A_195 = arith.constant 2 : i32
        %add3A_196 = arith.addi %add3A_131, %add3A_195 : i32
        %mul3A_197 = arith.constant 16 : i32
        %mul3A_198 = arith.muli %add3A_196, %mul3A_197 : i32
        %add3A_199 = arith.addi %mul3A_2, %mul3A_198 : i32
        %mul3A_200 = arith.constant 161 : i32
        %mul3A_201 = arith.muli %add3A_199, %mul3A_200 : i32
        %dma_start3A_202 = arith.constant 1 : i32
        %dma_start3A_203 = arith.constant 0 : i32
        %dma_start3A_204 = tpu.memref_slice %arg6[%dma_start3A_202, %dma_start3A_203] : memref<2x2576xi32, #tpu.memory_space<vmem>> -> memref<1x2576xi32, #tpu.memory_space<vmem>>
        %dma_start3A_205 = tpu.memref_squeeze %dma_start3A_204 : memref<1x2576xi32, #tpu.memory_space<vmem>> -> memref<2576xi32, #tpu.memory_space<vmem>>
        %dma_start3A_206 = tpu.memref_slice %arg3[%mul3A_201] : memref<2637824xi32, #tpu.memory_space<hbm>> -> memref<2576xi32, #tpu.memory_space<hbm>>
        %dma_start3A_207 = arith.constant 0 : i32
        %dma_start3A_208 = tpu.memref_slice %arg6[%dma_start3A_202, %dma_start3A_207] : memref<2x2576xi32, #tpu.memory_space<vmem>> -> memref<1x2576xi32, #tpu.memory_space<vmem>>
        %dma_start3A_209 = tpu.memref_squeeze %dma_start3A_208 : memref<1x2576xi32, #tpu.memory_space<vmem>> -> memref<2576xi32, #tpu.memory_space<vmem>>
        %dma_start3A_210 = tpu.memref_slice %arg3[%mul3A_201] : memref<2637824xi32, #tpu.memory_space<hbm>> -> memref<2576xi32, #tpu.memory_space<hbm>>
        tpu.enqueue_dma source(%dma_start3A_210 : memref<2576xi32, #tpu.memory_space<hbm>>) target(%dma_start3A_209 : memref<2576xi32, #tpu.memory_space<vmem>>) target_semaphore(%arg9 : memref<!tpu.dma_semaphore, #tpu.memory_space<semaphore_mem>>)
      } else {
      }
    }
    %scan3A_34 = arith.constant 16 : i32
    %dma_wait3A = arith.constant 0 : i32
    %dma_wait3A_35 = arith.constant 0 : i32
    %dma_wait3A_36 = arith.constant 0 : i32
    %dma_wait3A_37 = tpu.memref_slice %arg7[%dma_wait3A, %dma_wait3A_35, %dma_wait3A_36] : memref<2x2576x8xf32, #tpu.memory_space<vmem>> -> memref<1x2576x8xf32, #tpu.memory_space<vmem>>
    %dma_wait3A_38 = tpu.memref_squeeze %dma_wait3A_37 : memref<1x2576x8xf32, #tpu.memory_space<vmem>> -> memref<2576x8xf32, #tpu.memory_space<vmem>>
    %dma_wait3A_39 = arith.constant 0 : i32
    %dma_wait3A_40 = arith.constant 0 : i32
    %dma_wait3A_41 = tpu.memref_slice %arg4[%dma_wait3A_39, %dma_wait3A_40] : memref<2637824x8xf32, #tpu.memory_space<hbm>> -> memref<2576x8xf32, #tpu.memory_space<hbm>>
    %dma_wait3A_42 = arith.constant 0 : i32
    %dma_wait3A_43 = arith.constant 0 : i32
    %dma_wait3A_44 = tpu.memref_slice %arg4[%dma_wait3A_42, %dma_wait3A_43] : memref<2637824x8xf32, #tpu.memory_space<hbm>> -> memref<2576x8xf32, #tpu.memory_space<hbm>>
    %dma_wait3A_45 = arith.constant 0 : i32
    %dma_wait3A_46 = arith.constant 0 : i32
    %dma_wait3A_47 = tpu.memref_slice %arg7[%dma_wait3A, %dma_wait3A_45, %dma_wait3A_46] : memref<2x2576x8xf32, #tpu.memory_space<vmem>> -> memref<1x2576x8xf32, #tpu.memory_space<vmem>>
    %dma_wait3A_48 = tpu.memref_squeeze %dma_wait3A_47 : memref<1x2576x8xf32, #tpu.memory_space<vmem>> -> memref<2576x8xf32, #tpu.memory_space<vmem>>
    tpu.wait_dma2 semaphore(%arg12 : memref<!tpu.dma_semaphore, #tpu.memory_space<semaphore_mem>>) src(%dma_wait3A_48 : memref<2576x8xf32, #tpu.memory_space<vmem>>) dst(%dma_wait3A_44 : memref<2576x8xf32, #tpu.memory_space<hbm>>)
    %dma_wait3A_49 = arith.constant 1 : i32
    %dma_wait3A_50 = arith.constant 0 : i32
    %dma_wait3A_51 = arith.constant 0 : i32
    %dma_wait3A_52 = tpu.memref_slice %arg7[%dma_wait3A_49, %dma_wait3A_50, %dma_wait3A_51] : memref<2x2576x8xf32, #tpu.memory_space<vmem>> -> memref<1x2576x8xf32, #tpu.memory_space<vmem>>
    %dma_wait3A_53 = tpu.memref_squeeze %dma_wait3A_52 : memref<1x2576x8xf32, #tpu.memory_space<vmem>> -> memref<2576x8xf32, #tpu.memory_space<vmem>>
    %dma_wait3A_54 = arith.constant 0 : i32
    %dma_wait3A_55 = arith.constant 0 : i32
    %dma_wait3A_56 = tpu.memref_slice %arg4[%dma_wait3A_54, %dma_wait3A_55] : memref<2637824x8xf32, #tpu.memory_space<hbm>> -> memref<2576x8xf32, #tpu.memory_space<hbm>>
    %dma_wait3A_57 = arith.constant 0 : i32
    %dma_wait3A_58 = arith.constant 0 : i32
    %dma_wait3A_59 = tpu.memref_slice %arg4[%dma_wait3A_57, %dma_wait3A_58] : memref<2637824x8xf32, #tpu.memory_space<hbm>> -> memref<2576x8xf32, #tpu.memory_space<hbm>>
    %dma_wait3A_60 = arith.constant 0 : i32
    %dma_wait3A_61 = arith.constant 0 : i32
    %dma_wait3A_62 = tpu.memref_slice %arg7[%dma_wait3A_49, %dma_wait3A_60, %dma_wait3A_61] : memref<2x2576x8xf32, #tpu.memory_space<vmem>> -> memref<1x2576x8xf32, #tpu.memory_space<vmem>>
    %dma_wait3A_63 = tpu.memref_squeeze %dma_wait3A_62 : memref<1x2576x8xf32, #tpu.memory_space<vmem>> -> memref<2576x8xf32, #tpu.memory_space<vmem>>
    tpu.wait_dma2 semaphore(%arg13 : memref<!tpu.dma_semaphore, #tpu.memory_space<semaphore_mem>>) src(%dma_wait3A_63 : memref<2576x8xf32, #tpu.memory_space<vmem>>) dst(%dma_wait3A_59 : memref<2576x8xf32, #tpu.memory_space<hbm>>)
    return
  }
}

module attributes {stable_mosaic.version = 14 : i64} {
  func.func @body(%arg0: memref<2x107xf32, #tpu.memory_space<vmem>>, %arg1: memref<2x107xf32, #tpu.memory_space<vmem>>, %arg2: memref<2x107xf32, #tpu.memory_space<vmem>>) attributes {dimension_semantics = [], scalar_prefetch = 0 : i64, scratch_operands = 0 : i64, tpu.core_type = #tpu.core_type<tc>} {
    %get3A = arith.constant 0 : index
    %get3A_0 = arith.constant 0 : index
    %get3A_1 = vector.load %arg0[%get3A, %get3A_0] : memref<2x107xf32, #tpu.memory_space<vmem>>, vector<2x107xf32>
    %add3A = arith.constant 1.000000e+00 : f32
    %add3A_2 = vector.broadcast %add3A : f32 to vector<2x107xf32>
    %add3A_3 = arith.addf %get3A_1, %add3A_2 : vector<2x107xf32>
    %pow3A = arith.constant 0.0833333358 : f32
    %pow3A_4 = vector.broadcast %pow3A : f32 to vector<2x107xf32>
    %pow3A_5 = math.powf %add3A_3, %pow3A_4 : vector<2x107xf32>
    %sub3A = arith.constant 1.000000e+00 : f32
    %sub3A_6 = vector.broadcast %sub3A : f32 to vector<2x107xf32>
    %sub3A_7 = arith.subf %pow3A_5, %sub3A_6 : vector<2x107xf32>
    %get3A_8 = arith.constant 0 : index
    %get3A_9 = arith.constant 0 : index
    %get3A_10 = vector.load %arg1[%get3A_8, %get3A_9] : memref<2x107xf32, #tpu.memory_space<vmem>>, vector<2x107xf32>
    %sub3A_11 = arith.constant 1.000000e+00 : f32
    %sub3A_12 = vector.broadcast %sub3A_11 : f32 to vector<2x107xf32>
    %sub3A_13 = arith.subf %sub3A_12, %get3A_10 : vector<2x107xf32>
    %mul3A = arith.mulf %sub3A_7, %sub3A_13 : vector<2x107xf32>
    %swap3A = arith.constant 0 : index
    %swap3A_14 = arith.constant 0 : index
    %swap3A_15 = vector.load %arg2[%swap3A, %swap3A_14] : memref<2x107xf32, #tpu.memory_space<vmem>>, vector<2x107xf32>
    tpu.vector_store %arg2[%swap3A, %swap3A_14], %mul3A {strides = array<i32>} : memref<2x107xf32, #tpu.memory_space<vmem>>, vector<2x107xf32>,
    return
  }
}

module attributes {stable_mosaic.version = 14 : i64} {
  func.func @body(%arg0: i32, %arg1: memref<2048x1xi32, #tpu.memory_space<vmem>>, %arg2: memref<2048x1xi32, #tpu.memory_space<vmem>>, %arg3: memref<2048x1xi32, #tpu.memory_space<vmem>>, %arg4: memref<2048x161xi32, #tpu.memory_space<vmem>>) attributes {dimension_semantics = [#tpu.dimension_semantics<arbitrary>], iteration_bounds = array<i64: 8>, scalar_prefetch = 0 : i64, scratch_operands = 0 : i64, tpu.core_type = #tpu.core_type<tc>, window_params = [{transform_indices = @transform_0, window_bounds = array<i64: 2048, 1>}, {transform_indices = @transform_1, window_bounds = array<i64: 2048, 1>}, {transform_indices = @transform_2, window_bounds = array<i64: 2048, 1>}, {transform_indices = @transform_3, window_bounds = array<i64: 2048, 161>}]} {
    %get3A = arith.constant 0 : index
    %get3A_0 = arith.constant 0 : index
    %get3A_1 = vector.load %arg2[%get3A, %get3A_0] : memref<2048x1xi32, #tpu.memory_space<vmem>>, vector<2048x1xi32>
    %mul3A = arith.constant 12 : i32
    %mul3A_2 = vector.broadcast %mul3A : i32 to vector<2048x1xi32>
    %mul3A_3 = arith.muli %get3A_1, %mul3A_2 : vector<2048x1xi32>
    %get3A_4 = arith.constant 0 : index
    %get3A_5 = arith.constant 0 : index
    %get3A_6 = vector.load %arg3[%get3A_4, %get3A_5] : memref<2048x1xi32, #tpu.memory_space<vmem>>, vector<2048x1xi32>
    %add3A = arith.addi %mul3A_3, %get3A_6 : vector<2048x1xi32>
    %and3A = arith.constant 7 : i32
    %and3A_7 = vector.broadcast %and3A : i32 to vector<2048x1xi32>
    %and3A_8 = arith.andi %add3A, %and3A_7 : vector<2048x1xi32>
    %mul3A_9 = arith.constant 2 : i32
    %mul3A_10 = vector.broadcast %mul3A_9 : i32 to vector<2048x1xi32>
    %mul3A_11 = arith.muli %and3A_8, %mul3A_10 : vector<2048x1xi32>
    %get3A_12 = arith.constant 0 : index
    %get3A_13 = arith.constant 0 : index
    %get3A_14 = vector.load %arg1[%get3A_12, %get3A_13] : memref<2048x1xi32, #tpu.memory_space<vmem>>, vector<2048x1xi32>
    %add3A_15 = arith.addi %mul3A_11, %get3A_14 : vector<2048x1xi32>
    %mul3A_16 = arith.constant 322 : i32
    %mul3A_17 = vector.broadcast %mul3A_16 : i32 to vector<2048x1xi32>
    %mul3A_18 = arith.muli %add3A_15, %mul3A_17 : vector<2048x1xi32>
    %sub3A = arith.subi %add3A, %and3A_8 : vector<2048x1xi32>
    %shift_right_logical3A = arith.constant 3 : i32
    %shift_right_logical3A_19 = vector.broadcast %shift_right_logical3A : i32 to vector<2048x1xi32>
    %shift_right_logical3A_20 = arith.shrui %sub3A, %shift_right_logical3A_19 : vector<2048x1xi32>
    %add3A_21 = arith.addi %mul3A_18, %shift_right_logical3A_20 : vector<2048x1xi32>
    %iota3A = tpu.iota {dimensions = array<i32: 1>} : vector<2048x161xi32>
    %add3A_22 = vector.broadcast %add3A_21 : vector<2048x1xi32> to vector<2048x161xi32>
    %add3A_23 = arith.addi %add3A_22, %iota3A : vector<2048x161xi32>
    %swap3A = arith.constant 0 : index
    %swap3A_24 = arith.constant 0 : index
    %swap3A_25 = vector.load %arg4[%swap3A, %swap3A_24] : memref<2048x161xi32, #tpu.memory_space<vmem>>, vector<2048x161xi32>
    tpu.vector_store %arg4[%swap3A, %swap3A_24], %add3A_23 {strides = array<i32>} : memref<2048x161xi32, #tpu.memory_space<vmem>>, vector<2048x161xi32>,
    return
  }
  func.func @transform_0(%arg0: i32) -> (i32, i32) {
    %c0_i32 = arith.constant 0 : i32
    %c0_i32_0 = arith.constant 0 : i32
    return %arg0, %c0_i32 : i32, i32
  }
  func.func @transform_1(%arg0: i32) -> (i32, i32) {
    %c0_i32 = arith.constant 0 : i32
    %c0_i32_0 = arith.constant 0 : i32
    return %arg0, %c0_i32 : i32, i32
  }
  func.func @transform_2(%arg0: i32) -> (i32, i32) {
    %c0_i32 = arith.constant 0 : i32
    %c0_i32_0 = arith.constant 0 : i32
    return %arg0, %c0_i32 : i32, i32
  }
  func.func @transform_3(%arg0: i32) -> (i32, i32) {
    %c0_i32 = arith.constant 0 : i32
    %c0_i32_0 = arith.constant 0 : i32
    return %arg0, %c0_i32 : i32, i32
  }
}

</mosaic_0001>

<sc_bundles>
// kernel: kernel.5.cloned.1.call-start
scs
__scs_entry_jumppad:
0x0: {  	(pc) =	sbr.rel $0x88, $3  }
0x1: {  	(tag) =	ssettag $0x0;
	lr =	simm.s32 $0x1  }
0x2: {  	[smem:$0x3F9E] =	sst lr;
	_ =	strace $0xD0000000  }
0x3: {  	_ = 	snop  }
0x4: {  	_ = 	snop  }
0x5: {  	_ = 	snop  }
0x6: {  	_ = 	snop  }
0x7: {  	_ = 	snop  }
__scs_overlays_trampoline_lowered:
0x8: {  	[smem:$0x3FAD] =	sst s0  }
0x9: {  	[smem:$0x3FAE] =	sst s1  }
0xa: {  	[smem:$0x3FAF] =	sst s2  }
0xb: {  	[smem:$0x3FB0] =	sst s3  }
0xc: {  	[smem:$0x3FB1] =	sst s4  }
0xd: {  	[smem:$0x3FB2] =	sst s5  }
0xe: {  	[smem:$0x3FB3] =	sst s6  }
0xf: {  	[smem:$0x3FB4] =	sst s7  }
0x10: {  	[smem:$0x3FB5] =	sst s8  }
0x11: {  	[smem:$0x3FB6] =	sst s9;
	s0 =	simm.s32 @!p0 $0x0  }
0x12: {  	s1 =	sld [smem:$0x3F9C];
	s0 =	simm.s32 @p0 $0x1  }
0x13: {  	[smem:$0x3FB7] =	sst s0;
	s0 =	simm.s32 @!p1 $0x0  }
0x14: {  	s2 =	sld [smem:$0x3F9B];
	s0 =	simm.s32 @p1 $0x1  }
0x15: {  	[smem:$0x3FB8] =	sst s0;
	s0 =	simm.s32 @!p2 $0x0  }
0x16: {  	s3 =	sld [smem:$0x3FDB];
	s0 =	simm.s32 @p2 $0x1  }
0x17: {  	s4 =	simm.s32 $0x1BF5;
	[smem:$0x3FBA] =	sst s0  }
0x18: {  	s0 =	sld [smem:$0x3F9D];
	_ =	swait.ge [sflag:s4], $0x0  }
0x19: {  	s7 =	sld [smem:$0x3F9E]  }
0x1a: {  	s8 =	sadd.s32 $0xFFFFE003, lr  }
0x1b: {  	s9 =	sadd.s32 $0xFFFFFEF7, lr;
	s5 =	simm.s32 $0xFFFFFFFF;
	p2 =	slt.u32 s8, $0xFFFFF086  }
0x1c: {  	p1 =	slt.u32 s9, $0xF7A;
	s5 =	simm.s32 @!p2 $0x0  }
0x1d: {  	s5 =	simm.s32 @p1 $0x1;
	p0 =	seq.s32 s7, s2  }
0x1e: {  	s7 =	smul.u32 @!p0 $0xF7A, s2;
	p2 =	seq.s32 @!p0 s5, $0x0  }
0x1f: {  	s9 =	smul.u32 $0xF7A, s1;
	s8 =	simm.s32 @!p0 $0x1BF5;
	p2 =	por !p2, p0  }
0x20: {  	[sflag:s8] =	ssyncset.s32 @!p0 $0xFFFFF086;
	s6 =	sadd.s32 @!p0 s3, s7;
	s7 =	simm.s32 @!p0 $0x108  }
0x21: {  	s3 =	sadd.s32 s3, s9;
	s6 =	sadd.s32 @!p0 $0x88, s6;
	s7 =	simm.s32 @p2 $0x1082  }
0x22: {  	[simem:s7], [sflag:s8] =	dma.local @!p0 [hbm:s6], $0xF7A  }
0x23: {  	s9 =	sor.u32 $0xD0000000, s2;
	s6 =	simm.s32 $0x108;
	_ =	swait.ge @!p0 [sflag:s8], $0x0  }
0x24: {  	s3 =	sadd.s32 $0x88, s3;
	s6 =	simm.s32 @!p1 $0x1082;
	[sflag:s4] =	ssyncset.s32 $0xFFFFF086  }
0x25: {  	[simem:s6], [sflag:s4] =	dma.local [hbm:s3], $0xF7A  }
0x26: {  	[smem:$0x3F9E] =	sst s1;
	(tag) =	ssettag s2;
	_ =	strace s9  }
0x27: {  	s1 =	sld [smem:$0x3FAE]  }
0x28: {  	s2 =	sld [smem:$0x3FAF]  }
0x29: {  	s4 =	sld [smem:$0x3FB1]  }
0x2a: {  	p0 =	seq.s32 s5, $0x0;
	s5 =	sld [smem:$0x3FB2]  }
0x2b: {  	s6 =	sld [smem:$0x3FB3]  }
0x2c: {  	s7 =	sld [smem:$0x3FB4]  }
0x2d: {  	s3 =	simm.s32 $0x108;
	s8 =	sld [smem:$0x3FB5]  }
0x2e: {  	s3 =	simm.s32 @!p0 $0x1082;
	s9 =	sld [smem:$0x3FB6]  }
0x2f: {  	lr =	sadd.s32 s0, s3;
	s0 =	sld [smem:$0x3FAD]  }
0x30: {  	s3 =	sld [smem:$0x3FB0]  }
0x31: {  	[smem:$0x3FB9] =	sst s10  }
0x32: {  	s10 =	sld [smem:$0x3FB7];
	_ =	sdelay $0x3  }
0x33: {  	p0 =	seq.s32 s10, $0x1;
	s10 =	sld [smem:$0x3FB9];
	_ =	sdelay $0x3  }
0x34: {  	[smem:$0x3FB9] =	sst s10  }
0x35: {  	s10 =	sld [smem:$0x3FB8];
	_ =	sdelay $0x3  }
0x36: {  	p1 =	seq.s32 s10, $0x1;
	s10 =	sld [smem:$0x3FB9];
	_ =	sdelay $0x3  }
0x37: {  	[smem:$0x3FB9] =	sst s10  }
0x38: {  	s10 =	sld [smem:$0x3FBA]  }
0x39: {  	_ = 	snop;
	(pc) =	sbr.ind lr, $3  }
0x3a: {  	_ = 	snop  }
0x3b: {  	_ = 	snop  }
0x3c: {  	p2 =	seq.s32 s10, $0x1;
	s10 =	sld [smem:$0x3FB9]  }
0x3d: {  	_ =	shalt  }
0x3e: {  	_ =	shalt  }
0x3f: {  	_ =	shalt  }
0x40: {  	_ =	shalt  }
0x41: {  	_ =	shalt  }
0x42: {  	_ =	shalt  }
0x43: {  	_ =	shalt  }
0x44: {  	_ =	shalt  }
0x45: {  	_ =	shalt  }
0x46: {  	_ =	shalt  }
0x47: {  	_ =	shalt  }
0x48: {  	_ =	shalt  }
0x49: {  	_ =	shalt  }
0x4a: {  	_ =	shalt  }
0x4b: {  	_ =	shalt  }
0x4c: {  	_ =	shalt  }
0x4d: {  	_ =	shalt  }
0x4e: {  	_ =	shalt  }
0x4f: {  	_ =	shalt  }
0x50: {  	_ =	shalt  }
0x51: {  	_ =	shalt  }
0x52: {  	_ =	shalt  }
0x53: {  	_ =	shalt  }
0x54: {  	_ =	shalt  }
0x55: {  	_ =	shalt  }
0x56: {  	_ =	shalt  }
0x57: {  	_ =	shalt  }
0x58: {  	_ =	shalt  }
0x59: {  	_ =	shalt  }
0x5a: {  	_ =	shalt  }
0x5b: {  	_ =	shalt  }
0x5c: {  	_ =	shalt  }
0x5d: {  	_ =	shalt  }
0x5e: {  	_ =	shalt  }
0x5f: {  	_ =	shalt  }
0x60: {  	_ =	shalt  }
0x61: {  	_ =	shalt  }
0x62: {  	_ =	shalt  }
0x63: {  	_ =	shalt  }
0x64: {  	_ =	shalt  }
0x65: {  	_ =	shalt  }
0x66: {  	_ =	shalt  }
0x67: {  	_ =	shalt  }
0x68: {  	_ =	shalt  }
0x69: {  	_ =	shalt  }
0x6a: {  	_ =	shalt  }
0x6b: {  	_ =	shalt  }
0x6c: {  	_ =	shalt  }
0x6d: {  	_ =	shalt  }
0x6e: {  	_ =	shalt  }
0x6f: {  	_ =	shalt  }
0x70: {  	_ =	shalt  }
0x71: {  	_ =	shalt  }
0x72: {  	_ =	shalt  }
0x73: {  	_ =	shalt  }
0x74: {  	_ =	shalt  }
0x75: {  	_ =	shalt  }
0x76: {  	_ =	shalt  }
0x77: {  	_ =	shalt  }
0x78: {  	_ =	shalt  }
0x79: {  	_ =	shalt  }
0x7a: {  	_ =	shalt  }
0x7b: {  	_ =	shalt  }
0x7c: {  	_ =	shalt  }
0x7d: {  	_ =	shalt  }
0x7e: {  	_ =	shalt  }
0x7f: {  	_ =	shalt  }
0x80: {  	_ =	shalt  }
0x81: {  	_ =	shalt  }
0x82: {  	_ =	shalt  }
0x83: {  	_ =	shalt  }
0x84: {  	_ =	shalt  }
0x85: {  	_ =	shalt  }
0x86: {  	_ =	shalt  }
0x87: {  	_ =	shalt  }
.Lfunc_end0:
.L_simem_size_0:
called_computation.1_lowered:
.L_overlay_start_0:
0x88: {  	s2 =	sld [smem:$0x3FD9]  }
0x89: {  	s3 =	sld [smem:$0x3FFE];
	_ =	sdelay $0x1  }
0x8a: {  	s1 =	srdreg.scid  }
0x8b: {  	s0 =	sand.u32 $0x1, s1  }
0x8c: {  	s17 =	sshll.u32 s0, $0xA;
	s2 =	sadd.s32 s3, s2  }
0x8d: {  	s2 =	sadd.s32 s2, s17  }
0x8e: {  	[smem:$0x3FC5] =	sst s2  }
0x8f: {  	_ = 	snop  }
0x90: {  	s2 =	sld [smem:$0x3FD0];
	(tm) =	ssettm $0x1  }
0x91: {  	s18 =	sld [smem:$0x3FFB];
	_ =	sdelay $0x3  }
0x92: {  	_ =	strace s18  }
0x93: {  	s3 =	sld [smem:$0x3FFC];
	_ =	sdelay $0x3  }
0x94: {  	_ =	strace s3  }
0x95: {  	s3 =	sld [smem:$0x3FFD];
	_ =	sdelay $0x3  }
0x96: {  	_ =	strace s3  }
0x97: {  	_ =	strace $0x8FFFFFFF  }
0x98: {  	s19 =	sld [smem:$0x3FDB];
	_ =	sdelay $0x1  }
0x99: {  	s4 =	simm.s32 $_scs_section_size  }
0x9a: {  	s5 =	simm.s32 $_size__tile_overlayer_lowered;
	s6 =	simm.s32 $_tile_overlayer_lowered  }
0x9b: {  	s22 =	simm.s32 $0x1BFF;
	s21 =	sshll.u32 s6, $0x1;
	s3 =	sadd.s32 s4, s19  }
0x9c: {  	s7 =	simm.s32 $0x0;
	s20 =	sshll.u32 s5, $0x1;
	s5 =	sadd.s32 s21, s3  }
0x9d: {  	[timem:s7], [sflag:s22] =	dma.local [hbm:s5], s20  }
0x9e: {  	_ =	swait.ge [sflag:s22], s20  }
0x9f: {  	s4 =	ssub.s32 $0x0, s20;
	[sflag:s22] =	ssyncset.done $0x0  }
0xa0: {  	[sflag:s22] =	ssyncadd.s32 s4;
	_ =	sdelay $0x1  }
0xa1: {  	s23 =	simm.s32 $0x1B8B  }
0xa2: {  	_ =	swait.ge [sflag:s23], $0x1  }
0xa3: {  	[sflag:s23] =	ssyncset.done $0x0  }
0xa4: {  	s25 =	simm.s32 $0x1B8E;
	s24 =	sld [smem:$0x3FFE];
	[sflag:s23] =	ssyncadd.s32 $0xFFFFFFFF  }
0xa5: {  	s26 =	simm.s32 $execute0_lowered;
	[smem:$0x3FD2] =	sst s25  }
0xa6: {  	s5 =	sshll.u32 s26, $0x1;
	_ =	strace $0x80000046;
	[dreg:$0x1] =	wrdreg $0xFFFFFFFF  }
0xa7: {  	s28 =	simm.s32 $_size_execute0_lowered;
	s3 =	sadd.s32 s3, s5;
	[dreg:$0x0] =	wrdreg $0x0  }
0xa8: {  	s5 =	sshll.u32 s28, $0x1;
	[dreg:$0x2] =	wrdreg s3  }
0xa9: {  	[dreg:$0x3] =	wrdreg s5  }
0xaa: {  	[dreg:$0x4] =	wrdreg $0xC0  }
0xab: {  	_ =	task [dreg:s7], $0x5FFFF  }
0xac: {  	[dreg:$0x1] =	wrdreg $0xFFFFFFFF  }
0xad: {  	[dreg:$0x0] =	wrdreg $0x60  }
0xae: {  	[dreg:$0x2] =	wrdreg s24  }
0xaf: {  	[dreg:$0x3] =	wrdreg s2  }
0xb0: {  	[dreg:$0x4] =	wrdreg $0x0  }
0xb1: {  	[dreg:$0x5] =	wrdreg $0x9  }
0xb2: {  	_ =	task.clear_ibuf [dreg:s7], $0x6FFFF;
	_ =	strace $0x90000046  }
0xb3: {  	s29 =	simm.s32 $0x9;
	_ =	strace $0x80000048  }
0xb4: {  	_ =	swait.ge [sflag:s29], $0x1  }
0xb5: {  	[sflag:s29] =	ssyncadd.s32 $0xFFFFFFFF  }
0xb6: {  	_ =	strace $0x90000048  }
0xb7: {  	_ =	sfence  }
0xb8: {  	s30 =	sld [smem:$0x0];
	_ =	sdelay $0x2  }
0xb9: {  	s31 =	sshll.u32 s1, $0xD;
	s1 =	sshrl.u32 s1, $0x2  }
0xba: {  	s3 =	sand.u32 $0x4000, s31;
	s1 =	sadd.s32 s1, s30  }
0xbb: {  	s0 =	sor.u32 s3, s0;
	s1 =	sshll.u32 s1, $0x11  }
0xbc: {  	s0 =	sor.u32 s1, s0  }
0xbd: {  	s0 =	sadd.s32 $0x8F2B, s0  }
0xbe: {  	[sflag:s0] =	ssyncadd.remote.s32 $0x1  }
0xbf: {  	_ =	sfence.sel $0xFFFF  }
0xc0: {  	[dreg:$0x0] =	wrdreg $0xFFFFFFFF;
	(pc) =	sbr.abs _section_cstart, $3  }
0xc1: {  	[dreg:$0x1] =	wrdreg $0xFFFFFFFF  }
0xc2: {  	_ =	task.clear_ibuf [dreg:s7], $0x2FFFF;
	_ =	strace $0x9FFFFFFF  }
0xc3: {  	(tm) =	ssettm $0x7FFFFFFF  }
tec
execute0_lowered:
.L_overlay_start_1:
0x0: {  	(tag) =	ssettag $0x1  }
0x1: {  	s4 =	rddreg [dreg:$0x0]  }
0x2: {  	s11 =	rddreg [dreg:$0x1]  }
0x3: {  	s1 =	rddreg [dreg:$0x2]  }
0x4: {  	s0 =	rddreg [dreg:$0x3]  }
0x5: {  	s2 =	simm.s32 $0x0;
	s3 =	srdreg.scid;
	s14 =	stileid.u32  }
0x6: {  	s18 =	simm.s32 $0x1E30;
	s19 =	simm.s32 $0x3;
	s20 =	simm.s32 $0x2  }
0x7: {  	s21 =	simm.s32 $0x6EB0;
	s22 =	simm.s32 $0x4;
	[smem:$0x7FF] =	sst s2  }
0x8: {  	s12 =	sand.u32 $0x1, s3;
	s23 =	sshll.u32 s14, $0x1;
	s3 =	sadd.s32 $0xA00, s4  }
0x9: {  	s13 =	sadd.s32 $0x2000, s4;
	s15 =	sshll.u32 s14, $0xA;
	s30 =	smul.u32 $0x28400, s14  }
0xa: {  	p0 =	sne.s32 s14, $0x0;
	_ =	strace $0x80000047;
	s5 =	sor.u32 s12, s23  }
0xb: {  	s6 =	ssub.s32 $0x2, s12;
	s16 =	sshll.u32 s12, $0x9;
	s12 =	smul.u32 $0x14200, s12  }
0xc: {  	s14 =	sshrl.u32 @!p0 s1, $0x3;
	s23 =	simm.s32 $0x5;
	s7 =	smul.u32 $0x14200, s5  }
0xd: {  	s24 =	sshrl.u32 s6, $0x1;
	s8 =	smul.u32 $0x2840, s5;
	s9 =	sshll.u32 s5, $0x9  }
0xe: {  	s28 =	sor.u32 s16, s15;
	s16 =	sadd.s32 s30, s11;
	s6 =	ssub.s32 s6, s24  }
0xf: {  	s26 =	sor.u32 $0x20, s9;
	s9 =	sor.u32 $0x30, s9;
	s15 =	smul.u32 $0xA1, s28  }
0x10: {  	s16 =	sadd.s32 s12, s16;
	s24 =	simm.s32 $0x6;
	s10 =	sadd.s32 $0xA10, s7  }
0x11: {  	s4 =	sadd.s32 s13, s8;
	s8 =	smul.u32 $0xA1, s26;
	s6 =	smax.u32 s6, $0x1  }
0x12: {  	s17 =	smul.u32 $0xA1, s9;
	s7 =	sadd.s32 s11, s7;
	s25 =	sshrl.u32 s10, $0x3  }
0x13: {  	s9 =	sadd.s32 s11, s10;
	s31 =	sadd.s32 $0x3250, s15;
	s15 =	sadd.s32 $0x2840, s15  }
.Ltmp0:
0x14: {  	s5 =	sadd.s32 s13, s25;
	s8 =	sshrl.u32 s8, $0x3;
	(pc) =	sbr.rel .LBB2_1-.Ltmp0, $4  }
0x15: {  	s29 =	sshrl.u32 s17, $0x3;
	s17 =	sshrl.u32 s31, $0x3;
	s15 =	sshrl.u32 s15, $0x3  }
0x16: {  	s25 =	simm.s32 $0x0;
	s8 =	sadd.s32 s13, s8;
	s10 =	sadd.s32 s13, s29  }
0x17: {  	s11 =	sadd.s32 s17, s13;
	s12 =	sadd.s32 s15, s13;
	s13 =	sadd.s32 $0x1420, s16  }
0x18: {  	s15 =	simm.s32 $0xA10;
	s16 =	simm.s32 $0x1420;
	s17 =	simm.s32 $0x1  }
.LBB2_4:
0x19: {  	s25 =	sadd.s32 $0x1, s25  }
0x1a: {  	_ =	swait.ge [sflag:s23], $0x5080;
	p1 =	sne.s32 s25, s6  }
.Ltmp1:
0x1b: {  	[sflag:s23] =	ssyncset.done $0x0;
	(pc) =	sbr.rel @!p1 .LBB2_5-.Ltmp1, $4  }
0x1c: {  	[sflag:s23] =	ssyncadd.s32 $0xFFFFAF80  }
0x1d: {  	_ =	swait.ge [sflag:s24], $0x5080  }
0x1e: {  	[sflag:s24] =	ssyncset.done $0x0  }
0x1f: {  	[sflag:s24] =	ssyncadd.s32 $0xFFFFAF80  }
.LBB2_1:
0x20: {  	s26 =	simm.s32 @!p0 $0x1C07  }
0x21: {  	[spmem:s14], [sflag:s26] =	dma.local @!p0 [hbm:s3], $0x1420  }
0x22: {  	s26 =	simm.s32 @!p0 $0x7  }
0x23: {  	_ =	swait.ge @!p0 [sflag:s26], $0x1420  }
0x24: {  	[sflag:s26] =	ssyncset.done @!p0 $0x0  }
0x25: {  	[sflag:s26] =	ssyncadd.s32 @!p0 $0xFFFFEBE0  }
0x26: {  	[bflag:$0x0] =	sbarrier.arrive $0xFFFF  }
0x27: {  	[tilespmem:s15], [sflag:$0x1] =	stream.linear.gather [hbm4b:s4+s2], $0xA10, $0x38;
	[tilespmem:$0xBF30] =	vst v63  }
0x28: {  	_ = 	snop  }
0x29: {  	[tilespmem:s16], [sflag:$0x2] =	stream.linear.gather [hbm4b:s5+s2], $0xA10, $0x38;
	[tilespmem:$0xBF30] =	vst v63  }
0x2a: {  	_ =	swait.ge [sflag:s17], $0xA10  }
0x2b: {  	[sflag:s17] =	ssyncset.done $0x0  }
0x2c: {  	[sflag:s17] =	ssyncadd.s32 $0xFFFFF5F0  }
0x2d: {  	[tilespmem:s18], [sflag:$0x3] =	stream.indirect.gather [spmem:s1], $0x8, s15, s15, $0xb8;
	[tilespmem:$0xBF30] =	vst v63  }
0x2e: {  	_ =	swait.ge [sflag:s19], $0x5080  }
0x2f: {  	[sflag:s19] =	ssyncset.done $0x0  }
0x30: {  	[sflag:s19] =	ssyncadd.s32 $0xFFFFAF80  }
0x31: {  	[hbm4b:s7+s2] =	stream.linear.scatter [tilespmem:s18], [sflag:$0x5], $0x5080, $0x38;
	[tilespmem:$0xBF30] =	vst v63  }
0x32: {  	_ = 	snop  }
0x33: {  	[tilespmem:s15], [sflag:$0x1] =	stream.linear.gather [hbm4b:s8+s2], $0xA10, $0x38;
	[tilespmem:$0xBF30] =	vst v63  }
0x34: {  	_ =	swait.ge [sflag:s20], $0xA10  }
0x35: {  	[sflag:s20] =	ssyncset.done $0x0  }
0x36: {  	[sflag:s20] =	ssyncadd.s32 $0xFFFFF5F0  }
0x37: {  	[tilespmem:s21], [sflag:$0x4] =	stream.indirect.gather [spmem:s1], $0x8, s16, s15, $0xb8;
	[tilespmem:$0xBF30] =	vst v63  }
0x38: {  	_ =	swait.ge [sflag:s22], $0x5080  }
0x39: {  	[sflag:s22] =	ssyncset.done $0x0  }
0x3a: {  	[sflag:s22] =	ssyncadd.s32 $0xFFFFAF80  }
0x3b: {  	[hbm4b:s9+s2] =	stream.linear.scatter [tilespmem:s21], [sflag:$0x6], $0x5080, $0x38;
	[tilespmem:$0xBF30] =	vst v63  }
0x3c: {  	s28 =	simm.s32 $0x0;
	s26 =	smov.u32 s13  }
0x3d: {  	[tilespmem:s16], [sflag:$0x2] =	stream.linear.gather [hbm4b:s10+s2], $0xA10, $0x38;
	[tilespmem:$0xBF30] =	vst v63  }
.LBB2_2:
0x3e: {  	_ =	swait.ge [sflag:s17], $0xA10  }
0x3f: {  	[sflag:s17] =	ssyncset.done $0x0  }
0x40: {  	[sflag:s17] =	ssyncadd.s32 $0xFFFFF5F0  }
0x41: {  	_ =	swait.ge [sflag:s23], $0x5080  }
0x42: {  	[sflag:s23] =	ssyncset.done $0x0  }
0x43: {  	[sflag:s23] =	ssyncadd.s32 $0xFFFFAF80  }
0x44: {  	[tilespmem:s18], [sflag:$0x3] =	stream.indirect.gather [spmem:s1], $0x8, s15, s15, $0xb8;
	[tilespmem:$0xBF30] =	vst v63  }
0x45: {  	_ =	swait.ge [sflag:s19], $0x5080  }
0x46: {  	[sflag:s19] =	ssyncset.done $0x0  }
0x47: {  	p1 =	seq.s32 s28, $0x2338;
	[sflag:s19] =	ssyncadd.s32 $0xFFFFAF80  }
0x48: {  	[hbm4b:s26+s2] =	stream.linear.scatter [tilespmem:s18], [sflag:$0x5], $0x5080, $0x38;
	[tilespmem:$0xBF30] =	vst v63  }
0x49: {  	s29 =	sadd.s32 @!p1 s28, s12;
	s30 =	simm.s32 @!p1 $0x0;
	s31 =	simm.s32 @!p1 $0xA10  }
0x4a: {  	[tilespmem:s31], [sflag:$0x1] =	stream.linear.gather @!p1 [hbm4b:s29+s30], $0xA10, $0x38;
	[tilespmem:$0xBF30] =	vst v63  }
0x4b: {  	_ =	swait.ge [sflag:s20], $0xA10  }
0x4c: {  	[sflag:s20] =	ssyncset.done $0x0  }
0x4d: {  	[sflag:s20] =	ssyncadd.s32 $0xFFFFF5F0  }
0x4e: {  	_ =	swait.ge [sflag:s24], $0x5080  }
0x4f: {  	[sflag:s24] =	ssyncset.done $0x0  }
0x50: {  	[sflag:s24] =	ssyncadd.s32 $0xFFFFAF80  }
0x51: {  	[tilespmem:s21], [sflag:$0x4] =	stream.indirect.gather [spmem:s1], $0x8, s16, s15, $0xb8;
	[tilespmem:$0xBF30] =	vst v63  }
.Ltmp2:
0x52: {  	_ = 	snop;
	(pc) =	sbr.rel @p1 .LBB2_4-.Ltmp2, $4  }
0x53: {  	_ =	swait.ge [sflag:s22], $0x5080  }
0x54: {  	[sflag:s22] =	ssyncset.done $0x0  }
0x55: {  	s31 =	sadd.s32 $0xA10, s26;
	[sflag:s22] =	ssyncadd.s32 $0xFFFFAF80  }
0x56: {  	[hbm4b:s31+s2] =	stream.linear.scatter [tilespmem:s21], [sflag:$0x6], $0x5080, $0x38;
	[tilespmem:$0xBF30] =	vst v63  }
.Ltmp3:
0x57: {  	(pc) =	sbr.rel .LBB2_2-.Ltmp3, $3  }
0x58: {  	_ =	sdelay $0x1  }
0x59: {  	s29 =	sadd.s32 s28, s11;
	s28 =	sadd.s32 $0x284, s28;
	s26 =	sadd.s32 $0x1420, s26  }
0x5a: {  	[tilespmem:s16], [sflag:$0x2] =	stream.linear.gather [hbm4b:s29+s2], $0xA10, $0x38;
	[tilespmem:$0xBF30] =	vst v63  }
.LBB2_5:
0x5b: {  	_ =	sfence.sel $0x180000  }
0x5c: {  	[bflag:$0x0] =	sbarrier.arrive $0xFFFF  }
0x5d: {  	_ =	strace $0x90000047  }
0x5e: {  	s0 =	sadd.s32 @!p0 $0x100000, s0;
	[bflag:$0x2] =	sbarrier.arrive $0xFFFF  }
0x5f: {  	[sflag:s0] =	ssyncadd.tile.s32 @!p0 $0x1;
	_ =	shalt  }
.Lfunc_end2:
_tile_overlayer_lowered:
.L_overlay_start_2:
0x60: {  	(tag) =	ssettag $0x2  }
0x61: {  	s0 =	rddreg [dreg:$0x0];
	s2 =	stileid.u32  }
0x62: {  	s1 =	rddreg [dreg:$0x1];
	p0 =	sne.s32 s2, $0x0  }
0x63: {  	s3 =	rddreg [dreg:$0x2];
	[bflag:$0x3] =	sbarrier.arrive $0xFFFF;
	s2 =	simm.s32 @!p0 $0x1C07  }
0x64: {  	[timem:s3], [sflag:s2] =	dma.local @!p0 [hbm:s0], s1  }
0x65: {  	s0 =	simm.s32 @!p0 $0x7  }
0x66: {  	_ =	swait.ge @!p0 [sflag:s0], s1  }
0x67: {  	s1 =	ssub.s32 @!p0 $0x0, s1;
	[sflag:s0] =	ssyncset.done @!p0 $0x0  }
0x68: {  	[sflag:s0] =	ssyncadd.s32 @!p0 s1  }
0x69: {  	[bflag:$0x3] =	sbarrier.arrive $0xFFFF  }
0x6a: {  	_ =	shalt  }

// kernel: sparse-core-data-format-call.cloned.1.call-start
scs
called_computation_lowered:
.L_overlay_start_0:
0x0: {  	s2 =	sld [smem:$0x3FD9]  }
0x1: {  	s3 =	sld [smem:$0x3FFE];
	_ =	sdelay $0x1  }
0x2: {  	s1 =	srdreg.scid  }
0x3: {  	s0 =	sand.u32 $0x1, s1  }
0x4: {  	s18 =	sshll.u32 s0, $0xA;
	s2 =	sadd.s32 s3, s2  }
0x5: {  	s2 =	sadd.s32 s2, s18  }
0x6: {  	[smem:$0x3FC5] =	sst s2  }
0x7: {  	_ = 	snop  }
0x8: {  	s2 =	sld [smem:$0x3FD0];
	(tm) =	ssettm $0x1  }
0x9: {  	s19 =	sld [smem:$0x3FFB];
	_ =	sdelay $0x3  }
0xa: {  	_ =	strace s19  }
0xb: {  	s3 =	sld [smem:$0x3FFC];
	_ =	sdelay $0x3  }
0xc: {  	_ =	strace s3  }
0xd: {  	s3 =	sld [smem:$0x3FFD];
	_ =	sdelay $0x3  }
0xe: {  	_ =	strace s3  }
0xf: {  	_ =	strace $0x8FFFFFFF  }
0x10: {  	s20 =	sld [smem:$0x3FDB];
	_ =	sdelay $0x1  }
0x11: {  	s4 =	simm.s32 $_scs_section_size  }
0x12: {  	s5 =	simm.s32 $_size__tile_overlayer_lowered;
	s6 =	simm.s32 $_tile_overlayer_lowered  }
0x13: {  	s23 =	simm.s32 $0x1BFF;
	s22 =	sshll.u32 s6, $0x1;
	s3 =	sadd.s32 s4, s20  }
0x14: {  	s7 =	simm.s32 $0x0;
	s21 =	sshll.u32 s5, $0x1;
	s5 =	sadd.s32 s22, s3  }
0x15: {  	[timem:s7], [sflag:s23] =	dma.local [hbm:s5], s21  }
0x16: {  	_ =	swait.ge [sflag:s23], s21  }
0x17: {  	s4 =	ssub.s32 $0x0, s21;
	[sflag:s23] =	ssyncset.done $0x0  }
0x18: {  	[sflag:s23] =	ssyncadd.s32 s4;
	_ =	sdelay $0x1  }
0x19: {  	s24 =	simm.s32 $0x1B8B  }
0x1a: {  	_ =	swait.ge [sflag:s24], $0x1  }
0x1b: {  	[sflag:s24] =	ssyncset.done $0x0  }
0x1c: {  	s26 =	simm.s32 $0x1B8E;
	s25 =	sld [smem:$0x3FFE];
	[sflag:s24] =	ssyncadd.s32 $0xFFFFFFFF  }
0x1d: {  	s27 =	simm.s32 $execute0_lowered;
	[smem:$0x3FD2] =	sst s26  }
0x1e: {  	s5 =	sshll.u32 s27, $0x1;
	_ =	strace $0x80000049;
	[dreg:$0x1] =	wrdreg $0xFFFFFFFF  }
0x1f: {  	s28 =	simm.s32 $_size_execute0_lowered;
	s3 =	sadd.s32 s3, s5;
	[dreg:$0x0] =	wrdreg $0x0  }
0x20: {  	s5 =	sshll.u32 s28, $0x1;
	[dreg:$0x2] =	wrdreg s3  }
0x21: {  	[dreg:$0x3] =	wrdreg s5  }
0x22: {  	[dreg:$0x4] =	wrdreg $0xC0  }
0x23: {  	_ =	task [dreg:s7], $0x5FFFF  }
0x24: {  	[dreg:$0x1] =	wrdreg $0xFFFFFFFF  }
0x25: {  	[dreg:$0x0] =	wrdreg $0x60  }
0x26: {  	[dreg:$0x2] =	wrdreg s25  }
0x27: {  	[dreg:$0x3] =	wrdreg s2  }
0x28: {  	[dreg:$0x4] =	wrdreg $0x9  }
0x29: {  	_ =	task.clear_ibuf [dreg:s7], $0x5FFFF;
	_ =	strace $0x90000049  }
0x2a: {  	s29 =	simm.s32 $0x9;
	_ =	strace $0x8000004B  }
0x2b: {  	_ =	swait.ge [sflag:s29], $0x1  }
0x2c: {  	[sflag:s29] =	ssyncadd.s32 $0xFFFFFFFF  }
0x2d: {  	_ =	strace $0x9000004B  }
0x2e: {  	_ =	sfence  }
0x2f: {  	s30 =	sld [smem:$0x0];
	_ =	sdelay $0x2  }
0x30: {  	s31 =	sshll.u32 s1, $0xD;
	s1 =	sshrl.u32 s1, $0x2  }
0x31: {  	s3 =	sand.u32 $0x4000, s31;
	s1 =	sadd.s32 s1, s30  }
0x32: {  	s0 =	sor.u32 s3, s0;
	s1 =	sshll.u32 s1, $0x11  }
0x33: {  	s0 =	sor.u32 s1, s0  }
0x34: {  	s0 =	sadd.s32 $0x8F2B, s0  }
0x35: {  	[sflag:s0] =	ssyncadd.remote.s32 $0x1  }
0x36: {  	_ =	sfence.sel $0xFFFF  }
0x37: {  	[dreg:$0x0] =	wrdreg $0xFFFFFFFF;
	(pc) =	sbr.abs _section_cstart, $3  }
0x38: {  	[dreg:$0x1] =	wrdreg $0xFFFFFFFF  }
0x39: {  	_ =	task.clear_ibuf [dreg:s7], $0x2FFFF;
	_ =	strace $0x9FFFFFFF  }
0x3a: {  	(tm) =	ssettm $0x7FFFFFFF  }
0x3b: {  	_ =	shalt  }
tec
execute0_lowered:
.L_overlay_start_1:
0x0: {  	(tag) =	ssettag $0x1  }
0x1: {  	s0 =	srdreg.scid  }
0x2: {  	s1 =	sshll.u32 s0, $0x4  }
0x3: {  	s6 =	rddreg [dreg:$0x0];
	s0 =	stileid.u32;
	s1 =	sand.u32 $0x10, s1  }
0x4: {  	s3 =	rddreg [dreg:$0x1];
	s1 =	sor.u32 s0, s1  }
0x5: {  	s5 =	simm.s32 $0x1;
	s31 =	simm.s32 $0x2;
	s2 =	sshll.u32 s1, $0x7  }
0x6: {  	s15 =	simm.s32 $0x0;
	s8 =	simm.s32 $0x20000;
	s4 =	ssub.s32 $0x4000, s2  }
0x7: {  	s14 =	simm.s32 $0x0;
	s9 =	simm.s32 $0x0;
	s30 =	sand.u32 $0xF80, s4  }
0x8: {  	s10 =	simm.s32 $0x0;
	s11 =	simm.s32 $0x0;
	p0 =	sne.s32 s30, $0x0  }
.Ltmp0:
0x9: {  	s7 =	sshrl.u32 s4, $0xC;
	s5 =	simm.s32 @!p0 $0x0;
	(pc) =	sbr.rel .LBB1_1-.Ltmp0, $4  }
0xa: {  	s13 =	simm.s32 $0x0;
	s1 =	rddreg [dreg:$0x2];
	s5 =	sadd.s32 s5, s7  }
0xb: {  	_ =	strace $0x8000004A;
	s4 =	simm.s32 $0x1;
	s5 =	smul.u32 $0xB, s5  }
0xc: {  	s6 =	sadd.s32 $0xA00, s6;
	s12 =	smov.u32 s2;
	[sflag:s4] =	ssyncpa.u1 $0x0  }
0xd: {  	[sflag:s31] =	ssyncpa.u1 $0x0;
	p0 =	por $0x0, $0x0;
	s7 =	sadd.s32 $0x1, s5  }
.LBB1_4:
0xe: {  	s20 =	sshra.s32 s20, $0x2  }
0xf: {  	s28 =	sand.u32 $0x78, s10;
	s21 =	sshll.u32 s9, $0xE;
	s22 =	sshll.u32 s10, $0x3  }
0x10: {  	s24 =	sshll.u32 s9, $0x7;
	p1 =	sgt.s32 s9, $0x488;
	s30 =	sshra.s32 s9, $0x1F  }
0x11: {  	s26 =	sshra.s32 s10, $0x1F;
	s19 =	sadd.s32 s20, s19;
	s21 =	sand.u32 $0xFFFE0000, s21  }
0x12: {  	v5 =	vld [tilespmem:s17+$0xFFFFFFD0];
	[tilespmem:s18+$0x2040 ss:$0x81] =	vst.msk $0xffff, v4;
	s23 =	sand.u32 $0xFFFFFC00, s22;
	s29 =	sand.u32 $0x380, s24;
	s22 =	sand.u32 $0x3C00, s22  }
0x13: {  	v58 =	vld [tilespmem:s17+$0xFFFFFFE0];
	[tilespmem:s18+$0x2850 ss:$0x81] =	vst.msk $0xffff, v3;
	s21 =	sadd.s32 s23, s21;
	s20 =	sor.u32 s28, s22;
	s22 =	smov.u32 s9  }
0x14: {  	v59 =	vld [tilespmem:s17+$0xFFFFFFF0];
	[tilespmem:s18+$0x3060 ss:$0x81] =	vst.msk $0xffff, v2;
	s24 =	sand.u32 s30, s9;
	s21 =	sshrl.u32 s21, $0xE;
	s22 =	simm.s32 @!p1 $0x488  }
0x15: {  	v60 =	vld [tilespmem:s17+$0x0];
	[tilespmem:s18+$0x0 ss:$0x81] =	vst.msk $0xffff, v1;
	p1 =	sgt.s32 s10, $0x3F80;
	s31 =	ssub.s32 s22, s24;
	s22 =	smov.u32 s10  }
0x16: {  	v61 =	vld [tilespmem:s17+$0x10];
	[tilespmem:s19+$0x3870 ss:$0x81] =	vst.msk $0xffff, v0;
	s25 =	smulhi.u32 $0x32E1CA, s21;
	s24 =	sand.u32 s26, s10;
	s22 =	simm.s32 @!p1 $0x3F80  }
0x17: {  	v62 =	vld [tilespmem:s17+$0x20];
	s20 =	sor.u32 s29, s20;
	[tilespmem:s19+$0x810 ss:$0x81] =	vst.msk $0xffff, v5;
	s27 =	sadd.s32 $0xFFFFFB78, s31;
	s22 =	ssub.s32 s22, s24  }
0x18: {  	v63 =	vld [tilespmem:s17+$0xFFFFFFC0];
	[tilespmem:s19+$0x1020 ss:$0x81] =	vst.msk $0xffff, v58;
	s18 =	ssub.s32 $0x508, s31;
	s28 =	smul.u32 $0x508, s25;
	s29 =	sadd.s32 $0xFFFFC080, s22  }
0x19: {  	[tilespmem:s19+$0x1830 ss:$0x81] =	vst.msk $0xffff, v59;
	p1 =	sgt.s32 s27, $0x7F;
	s22 =	ssub.s32 $0x4000, s22;
	p2 =	sgt.s32 s29, $0x7F  }
0x1a: {  	s30 =	sand.u32 $0x7, s10;
	[tilespmem:s19+$0x2040 ss:$0x81] =	vst.msk $0xffff, v60;
	s18 =	simm.s32 @p1 $0x0;
	s22 =	simm.s32 @p2 $0x0  }
0x1b: {  	s20 =	sshrl.u32 s20, $0x3;
	[tilespmem:s19+$0x2850 ss:$0x81] =	vst.msk $0xffff, v61;
	s17 =	ssub.s32 s21, s28;
	s18 =	smul.u32 s22, s18  }
0x1c: {  	[tilespmem:s19+$0x3060 ss:$0x81] =	vst.msk $0xffff, v62;
	s20 =	sadd.s32 s3, s20;
	s21 =	sshll.u32 s30, $0x12;
	s17 =	sshll.u32 s17, $0xB  }
0x1d: {  	[tilespmem:s19+$0x0 ss:$0x81] =	vst.msk $0xffff, v63;
	s31 =	sor.u32 $0x400, s21;
	s17 =	sadd.s32 s17, s20;
	s18 =	sand.u32 $0x3FFFFFFF, s18  }
0x1e: {  	[hbm4b:s17+s31] =	stream.strided.scatter [tilespmem:s16], [sflag:$0x2], s18, s8, s31, $0x20;
	[tilespmem:$0x10100] =	vst v63  }
.LBB1_5:
0x1f: {  	p1 =	slt.u32 s13, $0x2  }
0x20: {  	s17 =	smov.u32 s15;
	p2 =	sgt.s32 @!p1 s15, $0x488;
	s16 =	sshra.s32 @!p1 s15, $0x1F  }
0x21: {  	p3 =	sgt.s32 @!p1 s14, $0x3F80;
	s18 =	sshra.s32 @!p1 s14, $0x1F;
	p2 =	por !p2, p1  }
0x22: {  	s15 =	sand.u32 @!p1 s16, s15;
	p3 =	por !p3, p1;
	s16 =	smov.u32 s14  }
0x23: {  	s14 =	sand.u32 @!p1 s18, s14;
	s17 =	simm.s32 @p2 $0x488;
	s16 =	simm.s32 @p3 $0x3F80  }
0x24: {  	s15 =	ssub.s32 @!p1 s17, s15;
	s14 =	ssub.s32 @!p1 s16, s14  }
0x25: {  	s18 =	smov.u32 s12;
	s16 =	sadd.s32 @!p1 $0xFFFFFB78, s15;
	s17 =	sadd.s32 @!p1 $0xFFFFC080, s14  }
0x26: {  	s15 =	ssub.s32 @!p1 $0x508, s15;
	p2 =	sgt.s32 @!p1 s16, $0x7F;
	p3 =	sgt.s32 @!p1 s17, $0x7F  }
0x27: {  	s14 =	ssub.s32 @!p1 $0x4000, s14;
	p2 =	por !p2, p1;
	p3 =	por !p3, p1  }
0x28: {  	s16 =	sadd.s32 $0x80, s11;
	s15 =	simm.s32 @!p2 $0x0;
	s14 =	simm.s32 @!p3 $0x0  }
0x29: {  	p2 =	sgt.s32 s16, $0x503;
	s14 =	smul.u32 @!p1 s14, s15;
	s15 =	sadd.s32 $0x1000, s12  }
0x2a: {  	s18 =	smov.u32 @p2 s15  }
0x2b: {  	s16 =	simm.s32 @p2 $0x0;
	p2 =	sgt.s32 s18, $0x3FFF  }
0x2c: {  	s18 =	smov.u32 @p2 s2;
	p2 =	sne.s32 s13, s7  }
.Ltmp1:
0x2d: {  	p0 =	por !p0, !p0;
	s17 =	simm.s32 @!p1 $0x2;
	(pc) =	sbr.rel @!p2 .LBB1_6-.Ltmp1, $4  }
0x2e: {  	s15 =	smov.u32 s9;
	s9 =	smov.u32 s11;
	s14 =	sand.u32 @!p1 $0x3FFFFFFF, s14  }
0x2f: {  	s11 =	smov.u32 s16;
	_ =	swait.ge @!p1 [sflag:s17], s14;
	s19 =	ssub.s32 @!p1 $0x0, s14  }
0x30: {  	s14 =	smov.u32 s10;
	s13 =	sadd.s32 $0x1, s13;
	[sflag:s17] =	ssyncset.done @!p1 $0x0  }
0x31: {  	s10 =	smov.u32 s12;
	s12 =	smov.u32 s18;
	[sflag:s17] =	ssyncadd.s32 @!p1 s19  }
.LBB1_1:
0x32: {  	p1 =	sge.u32 s13, s5  }
0x33: {  	s16 =	sshrl.u32 @!p1 s12, $0x3  }
0x34: {  	s17 =	sshll.u32 @!p1 s11, $0x3;
	s16 =	smul.u32 @!p1 $0x2C00, s16  }
0x35: {  	s18 =	sshll.u32 @!p1 s12, $0x7;
	s17 =	sand.u32 @!p1 $0xFFFFFC00, s17  }
0x36: {  	s16 =	sadd.s32 @!p1 s16, s17;
	s17 =	sand.u32 @!p1 $0x380, s18  }
0x37: {  	s18 =	sand.u32 @!p1 $0x7F, s11;
	s16 =	sor.u32 @!p1 s17, s16  }
0x38: {  	s17 =	sor.u32 @!p1 s18, s16  }
0x39: {  	s18 =	smulhi.u32 @!p1 $0xBA2E8BA3, s17;
	_ =	sdelay $0x1  }
0x3a: {  	s16 =	smulhi.u32 @!p1 $0xBA2E8BA3, s16;
	s18 =	sshrl.u32 @!p1 s18, $0xA  }
0x3b: {  	s18 =	smul.u32 @!p1 $0x580, s18  }
0x3c: {  	s31 =	sadd.s32 $0xFFFFFFFF, s13;
	s19 =	sxor.u32 @!p1 $0xFFFFFFFF, s13;
	s16 =	sshrl.u32 @!p1 s16, $0xA  }
0x3d: {  	s19 =	sshll.u32 @!p1 s19, $0xE;
	s16 =	sand.u32 @!p1 $0x3FFF, s16;
	s17 =	ssub.s32 @!p1 s17, s18  }
0x3e: {  	s16 =	smul.u32 @!p1 $0xB0, s16;
	s18 =	sshrl.u32 @!p1 s17, $0x3;
	s17 =	sand.u32 @!p1 $0x7, s17  }
0x3f: {  	s19 =	sand.u32 @!p1 $0x4000, s19;
	s18 =	sadd.s32 @!p1 s6, s18;
	s17 =	sshll.u32 @!p1 s17, $0x12  }
0x40: {  	s16 =	sadd.s32 @!p1 s16, s18;
	s17 =	sor.u32 @!p1 $0x400, s17;
	s18 =	simm.s32 @!p1 $0x2C00  }
0x41: {  	[tilespmem:s19], [sflag:$0x1] =	stream.strided.gather @!p1 [hbm4b:s16+s17], $0x4000, s18, s17, $0x38;
	[tilespmem:$0x10100] =	vst v63  }
0x42: {  	p1 =	sge.u32 s31, s5  }
.Ltmp2:
0x43: {  	_ = 	snop;
	(pc) =	sbr.rel @p1 .LBB1_5-.Ltmp2, $1  }
0x44: {  	_ =	sdelay $0x3  }
0x45: {  	s16 =	simm.s32 $0x1  }
0x46: {  	_ =	swait.ge [sflag:s4], $0x4000;
	s16 =	simm.s32 @!p0 $0x0  }
0x47: {  	[sflag:s4] =	ssyncset.done $0x0;
	s17 =	sshll.u32 s16, $0xE  }
0x48: {  	[sflag:s4] =	ssyncadd.s32 $0xFFFFC000;
	s17 =	sor.u32 $0x40, s17  }
0x49: {  	s16 =	smul.u32 $0x10200, s16;
	v0 =	vld [tilespmem:s17+$0x30]  }
0x4a: {  	v1 =	vld [tilespmem:s17+$0xFFFFFFD0]  }
0x4b: {  	s16 =	sshrl.u32 s16, $0x2;
	v5 =	vld [tilespmem:s17+$0xFFFFFFE0]  }
0x4c: {  	v6 =	vld [tilespmem:s17+$0xFFFFFFF0];
	s19 =	sor.u32 $0x8000, s16  }
0x4d: {  	s31 =	sand.u32 $0x1, s13;
	v4 =	vld [tilespmem:s17+$0x0];
	s18 =	sadd.s32 $0x0, s19  }
0x4e: {  	v3 =	vld [tilespmem:s17+$0x10];
	s16 =	smul.u32 $0x10200, s31;
	[tilespmem:s18+$0x3870 ss:$0x81] =	vst.msk $0xffff, v0  }
0x4f: {  	v2 =	vld [tilespmem:s17+$0x20];
	[tilespmem:s18+$0x810 ss:$0x81] =	vst.msk $0xffff, v1  }
0x50: {  	s16 =	sshrl.u32 s16, $0x2;
	v1 =	vld [tilespmem:s17+$0xFFFFFFC0];
	[tilespmem:s18+$0x1020 ss:$0x81] =	vst.msk $0xffff, v5;
	s17 =	sadd.s32 $0x80, s17  }
0x51: {  	s20 =	simm.s32 $0x4;
	s21 =	simm.s32 $0x8;
	s16 =	sor.u32 $0x8000, s16;
	[tilespmem:s18+$0x1830 ss:$0x81] =	vst.msk $0xffff, v6;
	v0 =	vld [tilespmem:s17+$0x30]  }
.LBB1_3:
0x52: {  	p1 =	sne.s32 s21, $0x1FC;
	v5 =	vld [tilespmem:s17+$0xFFFFFFD0];
	[tilespmem:s18+$0x2040 ss:$0x81] =	vst.msk $0xffff, v4  }
0x53: {  	v6 =	vld [tilespmem:s17+$0xFFFFFFE0];
	[tilespmem:s18+$0x2850 ss:$0x81] =	vst.msk $0xffff, v3  }
0x54: {  	s22 =	sshra.s32 s20, $0x2;
	s20 =	smov.u32 s21;
	v7 =	vld [tilespmem:s17+$0xFFFFFFF0];
	[tilespmem:s18+$0x3060 ss:$0x81] =	vst.msk $0xffff, v2  }
.Ltmp3:
0x55: {  	v4 =	vld [tilespmem:s17+$0x0];
	[tilespmem:s18+$0x0 ss:$0x81] =	vst.msk $0xffff, v1;
	s18 =	sadd.s32 s22, s19;
	(pc) =	sbr.rel @p1 .LBB1_3-.Ltmp3, $4  }
0x56: {  	v3 =	vld [tilespmem:s17+$0x10];
	[tilespmem:s18+$0x3870 ss:$0x81] =	vst.msk $0xffff, v0  }
0x57: {  	[tilespmem:s18+$0x810 ss:$0x81] =	vst.msk $0xffff, v5;
	v2 =	vld [tilespmem:s17+$0x20]  }
0x58: {  	v1 =	vld [tilespmem:s17+$0xFFFFFFC0];
	[tilespmem:s18+$0x1020 ss:$0x81] =	vst.msk $0xffff, v6;
	s17 =	sadd.s32 $0x80, s17  }
0x59: {  	s21 =	sadd.s32 $0x4, s21;
	v0 =	vld [tilespmem:s17+$0x30];
	[tilespmem:s18+$0x1830 ss:$0x81] =	vst.msk $0xffff, v7  }
.Ltmp4:
0x5a: {  	_ = 	snop;
	(pc) =	sbr.rel .LBB1_4-.Ltmp4, $1  }
0x5b: {  	_ =	sdelay $0x3  }
.LBB1_6:
0x5c: {  	_ =	sfence.sel $0x180000  }
0x5d: {  	s2 =	simm.s32 $0x1;
	[bflag:$0x0] =	sbarrier.arrive $0xFFFF  }
0x5e: {  	s31 =	simm.s32 $0x2;
	[sflag:s2] =	ssyncpa.u1 $0x1  }
0x5f: {  	[sflag:s31] =	ssyncpa.u1 $0x1  }
0x60: {  	p0 =	sne.s32 s0, $0x0;
	_ =	strace $0x9000004A  }
0x61: {  	s0 =	sadd.s32 @!p0 $0x100000, s1;
	[bflag:$0x2] =	sbarrier.arrive $0xFFFF  }
0x62: {  	[sflag:s0] =	ssyncadd.tile.s32 @!p0 $0x1;
	_ =	shalt  }
.Lfunc_end1:
_tile_overlayer_lowered:
.L_overlay_start_2:
0x63: {  	(tag) =	ssettag $0x2  }
0x64: {  	s0 =	rddreg [dreg:$0x0];
	s2 =	stileid.u32  }
0x65: {  	s1 =	rddreg [dreg:$0x1];
	p0 =	sne.s32 s2, $0x0  }
0x66: {  	s3 =	rddreg [dreg:$0x2];
	[bflag:$0x3] =	sbarrier.arrive $0xFFFF;
	s2 =	simm.s32 @!p0 $0x1C01  }
0x67: {  	[timem:s3], [sflag:s2] =	dma.local @!p0 [hbm:s0], s1  }
0x68: {  	s0 =	simm.s32 @!p0 $0x1  }
0x69: {  	_ =	swait.ge @!p0 [sflag:s0], s1  }
0x6a: {  	s1 =	ssub.s32 @!p0 $0x0, s1;
	[sflag:s0] =	ssyncset.done @!p0 $0x0  }
0x6b: {  	[sflag:s0] =	ssyncadd.s32 @!p0 s1  }
0x6c: {  	[bflag:$0x3] =	sbarrier.arrive $0xFFFF  }
0x6d: {  	_ =	shalt  }

</sc_bundles>
